<compile_context>
chip_gen: v7x
topology: tpu7x:2x2x1
jax: 0.10.2.dev20260603
libtpu: 0.0.44.dev20260713+nightly
codegen_flags: <defaults>
</compile_context>

<pallas_src>
import functools

import jax
import jax.numpy as jnp
from jax import lax
from jax.experimental import pallas as pl
from jax.experimental.pallas import tpu as pltpu
from jax.experimental.pallas import tpu_sc as plsc

_NC, _NS, _NL = 2, 16, 16
_NW = _NC * _NS
_CSZ = 128


@functools.lru_cache(maxsize=None)
def _build_lookup(B: int, L: int):
    assert B % (_NW * _CSZ) == 0, B
    bpw = B // _NW
    nchunks = bpw // _CSZ

    mesh = plsc.VectorSubcoreMesh(core_axis_name="c", subcore_axis_name="s")

    @functools.partial(
        pl.kernel,
        mesh=mesh,
        compiler_params=pltpu.CompilerParams(needs_layout_passes=False),
        out_type=[
            jax.ShapeDtypeStruct((B,), jnp.int32),
            jax.ShapeDtypeStruct((B,), jnp.int32),
        ],
        scratch_types=[
            pltpu.VMEM((2, L, _CSZ), jnp.int32),
            pltpu.VMEM((bpw,), jnp.int32),
            pltpu.VMEM((bpw,), jnp.int32),
            pltpu.VMEM((bpw,), jnp.int32),
            pltpu.VMEM((bpw,), jnp.int32),
            pltpu.SemaphoreType.DMA,
            pltpu.SemaphoreType.DMA,
        ],
    )
    def lookup(seq_hbm, pos_hbm, sl_hbm, o_hbm, v_hbm,
               cols_v, pos_v, sl_v, o_v, vv_v, sem0, sem1):
        wid = lax.axis_index("s") * _NC + lax.axis_index("c")
        base = wid * bpw
        sems = (sem0, sem1)

        def issue(c):
            return pltpu.async_copy(
                seq_hbm.at[:, pl.ds(base + c * _CSZ, _CSZ)],
                cols_v.at[jnp.int32(c % 2)], sems[c % 2])

        pending = issue(0)
        pltpu.sync_copy(pos_hbm.at[pl.ds(base, bpw)], pos_v)
        pltpu.sync_copy(sl_hbm.at[pl.ds(base, bpw)], sl_v)

        for c in range(nchunks):
            pending.wait()
            if c + 1 < nchunks:
                pending = issue(c + 1)
            buf = jnp.full((_NL,), c % 2, jnp.int32)
            for jj in range(_CSZ // _NL):
                j = c * (_CSZ // _NL) + jj
                p = pos_v[pl.ds(j * _NL, _NL)]
                s = sl_v[pl.ds(j * _NL, _NL)]
                pc = jnp.minimum(jnp.maximum(p, 0), L - 1)
                iloc = jj * _NL + lax.iota(jnp.int32, _NL)
                g = plsc.load_gather(cols_v, [buf, pc, iloc])
                one = jnp.full((_NL,), 1, jnp.int32)
                zero = jnp.full((_NL,), 0, jnp.int32)
                neg1 = jnp.full((_NL,), -1, jnp.int32)
                vv = jnp.where(p >= 0, jnp.where(p < s, one, zero), zero)
                vv_v[pl.ds(j * _NL, _NL)] = vv
                o_v[pl.ds(j * _NL, _NL)] = jnp.where(vv > 0, g, neg1)

        pltpu.sync_copy(o_v, o_hbm.at[pl.ds(base, bpw)])
        pltpu.sync_copy(vv_v, v_hbm.at[pl.ds(base, bpw)])

    return lookup


def kernel(sequence, position, seq_len):
    B, L = sequence.shape
    seq32 = jnp.transpose(sequence).astype(jnp.uint32)
    pos32 = position.astype(jnp.int32)
    sl32 = seq_len.astype(jnp.int32)
    o32, v32 = _build_lookup(B, L)(seq32, pos32, sl32)
    return o32.astype(sequence.dtype), v32.astype(bool)

# --- scband reference (transcript-rebuilt; emitter-appended) ---
"""Pipeline reference for scband-world-model-83700322664463 (READ-ONLY COPY).

The authoritative reference and input builder live on the scoring server;
editing this copy changes nothing except your own understanding.
"""

import jax, jax.numpy as jnp
import numpy as np
jax.config.update("jax_enable_x64", True)


def setup_inputs(seed: int = 0) -> dict:
    key = jax.random.key(seed)
    k1, k2, k3 = jax.random.split(key, 3)
    B, L, V = 16384, 200, 1000
    sequence = jax.random.randint(k1, (B, L), 0, V, dtype=jnp.int64)
    position = jax.random.randint(k2, (B,), 0, L, dtype=jnp.int64)
    seq_len = jax.random.randint(k3, (B,), 0, L, dtype=jnp.int64)
    return {"sequence": sequence, "position": position, "seq_len": seq_len}


def reference(sequence, position, seq_len):
    # Faithful vectorized translation of WorldModel.look (the module's primary
    # batched lookup entry point; the class defines no nn.Module.forward).
    # For each row i: results[i] = sequence[i, position[i]] if 0 <= position[i] < seq_len[i]
    #                 else -1; valid[i] accordingly.
    B, L = sequence.shape
    valid = (position >= 0) & (position < seq_len)
    pos_clipped = jnp.clip(position, 0, L - 1)
    gathered = jnp.take_along_axis(sequence, pos_clipped[:, None], axis=1)[:, 0]
    results = jnp.where(valid, gathered, jnp.asarray(-1, dtype=sequence.dtype))
    return (results, valid)

if __name__ == "__main__":
    import jax
    _d = setup_inputs()
    print(jax.jit(kernel)(*tuple(_d.values())))

</pallas_src>

<mosaic_0001>
#map = affine_map<(d0, d1) -> (0, 0)>
#map1 = affine_map<(d0, d1) -> (0)>
module attributes {stable_mosaic.version = 14 : i64} {
  func.func @lookup(%arg0: i32, %arg1: i32, %arg2: memref<200x16384xi32, #tpu.memory_space<hbm>>, %arg3: memref<16384xi32, #tpu.memory_space<hbm>>, %arg4: memref<16384xi32, #tpu.memory_space<hbm>>, %arg5: memref<16384xi32, #tpu.memory_space<hbm>>, %arg6: memref<16384xi32, #tpu.memory_space<hbm>>, %arg7: memref<2x200x128xi32, #tpu.memory_space<vmem>>, %arg8: memref<512xi32, #tpu.memory_space<vmem>>, %arg9: memref<512xi32, #tpu.memory_space<vmem>>, %arg10: memref<512xi32, #tpu.memory_space<vmem>>, %arg11: memref<512xi32, #tpu.memory_space<vmem>>, %arg12: memref<!tpu.dma_semaphore, #tpu.memory_space<semaphore_mem>>, %arg13: memref<!tpu.dma_semaphore, #tpu.memory_space<semaphore_mem>>) attributes {dimension_semantics = [#tpu.dimension_semantics<core_parallel>, #tpu.dimension_semantics<subcore_parallel>], iteration_bounds = array<i64: 2, 16>, scalar_prefetch = 0 : i64, scratch_operands = 7 : i64, tpu.core_type = #tpu.core_type<sc_vector_subcore>, window_params = [{transform_indices = #map}, {transform_indices = #map1}, {transform_indices = #map1}, {transform_indices = #map1}, {transform_indices = #map1}]} {
    %mul3A = arith.constant 2 : i32
    %mul3A_0 = arith.muli %arg1, %mul3A : i32
    %add3A = arith.addi %mul3A_0, %arg0 : i32
    %mul3A_1 = arith.constant 512 : i32
    %mul3A_2 = arith.muli %add3A, %mul3A_1 : i32
    %add3A_3 = arith.constant 0 : i32
    %add3A_4 = arith.addi %mul3A_2, %add3A_3 : i32
    %dma_start3A = arith.constant 0 : i32
    %dma_start3A_5 = arith.constant 0 : i32
    %dma_start3A_6 = arith.constant 0 : i32
    %dma_start3A_7 = tpu.memref_slice %arg7[%dma_start3A, %dma_start3A_5, %dma_start3A_6] : memref<2x200x128xi32, #tpu.memory_space<vmem>> -> memref<1x200x128xi32, #tpu.memory_space<vmem>>
    %dma_start3A_8 = tpu.memref_squeeze %dma_start3A_7 : memref<1x200x128xi32, #tpu.memory_space<vmem>> -> memref<200x128xi32, #tpu.memory_space<vmem>>
    %dma_start3A_9 = arith.constant 0 : i32
    %dma_start3A_10 = tpu.memref_slice %arg2[%dma_start3A_9, %add3A_4] : memref<200x16384xi32, #tpu.memory_space<hbm>> -> memref<200x128xi32, #tpu.memory_space<hbm>>
    %dma_start3A_11 = arith.constant 0 : i32
    %dma_start3A_12 = arith.constant 0 : i32
    %dma_start3A_13 = tpu.memref_slice %arg7[%dma_start3A, %dma_start3A_11, %dma_start3A_12] : memref<2x200x128xi32, #tpu.memory_space<vmem>> -> memref<1x200x128xi32, #tpu.memory_space<vmem>>
    %dma_start3A_14 = tpu.memref_squeeze %dma_start3A_13 : memref<1x200x128xi32, #tpu.memory_space<vmem>> -> memref<200x128xi32, #tpu.memory_space<vmem>>
    %dma_start3A_15 = arith.constant 0 : i32
    %dma_start3A_16 = tpu.memref_slice %arg2[%dma_start3A_15, %add3A_4] : memref<200x16384xi32, #tpu.memory_space<hbm>> -> memref<200x128xi32, #tpu.memory_space<hbm>>
    tpu.enqueue_dma source(%dma_start3A_16 : memref<200x128xi32, #tpu.memory_space<hbm>>) target(%dma_start3A_14 : memref<200x128xi32, #tpu.memory_space<vmem>>) target_semaphore(%arg12 : memref<!tpu.dma_semaphore, #tpu.memory_space<semaphore_mem>>)
    "tpu.region"() ({
      %run_scoped3A = tpu.sem_alloc : memref<!tpu.dma_semaphore, #tpu.memory_space<semaphore_mem>>
      %dma_start3A_1230 = tpu.memref_slice %arg3[%mul3A_2] : memref<16384xi32, #tpu.memory_space<hbm>> -> memref<512xi32, #tpu.memory_space<hbm>>
      %dma_start3A_1231 = tpu.memref_slice %arg3[%mul3A_2] : memref<16384xi32, #tpu.memory_space<hbm>> -> memref<512xi32, #tpu.memory_space<hbm>>
      tpu.enqueue_dma source(%dma_start3A_1231 : memref<512xi32, #tpu.memory_space<hbm>>) target(%arg8 : memref<512xi32, #tpu.memory_space<vmem>>) target_semaphore(%run_scoped3A : memref<!tpu.dma_semaphore, #tpu.memory_space<semaphore_mem>>)
      %dma_wait3A_1232 = tpu.memref_slice %arg3[%mul3A_2] : memref<16384xi32, #tpu.memory_space<hbm>> -> memref<512xi32, #tpu.memory_space<hbm>>
      %dma_wait3A_1233 = tpu.memref_slice %arg3[%mul3A_2] : memref<16384xi32, #tpu.memory_space<hbm>> -> memref<512xi32, #tpu.memory_space<hbm>>
      tpu.wait_dma2 semaphore(%run_scoped3A : memref<!tpu.dma_semaphore, #tpu.memory_space<semaphore_mem>>) src(%dma_wait3A_1233 : memref<512xi32, #tpu.memory_space<hbm>>) dst(%arg8 : memref<512xi32, #tpu.memory_space<vmem>>)
      tpu.yield
    }) : () -> ()
    "tpu.region"() ({
      %run_scoped3A = tpu.sem_alloc : memref<!tpu.dma_semaphore, #tpu.memory_space<semaphore_mem>>
      %dma_start3A_1230 = tpu.memref_slice %arg4[%mul3A_2] : memref<16384xi32, #tpu.memory_space<hbm>> -> memref<512xi32, #tpu.memory_space<hbm>>
      %dma_start3A_1231 = tpu.memref_slice %arg4[%mul3A_2] : memref<16384xi32, #tpu.memory_space<hbm>> -> memref<512xi32, #tpu.memory_space<hbm>>
      tpu.enqueue_dma source(%dma_start3A_1231 : memref<512xi32, #tpu.memory_space<hbm>>) target(%arg9 : memref<512xi32, #tpu.memory_space<vmem>>) target_semaphore(%run_scoped3A : memref<!tpu.dma_semaphore, #tpu.memory_space<semaphore_mem>>)
      %dma_wait3A_1232 = tpu.memref_slice %arg4[%mul3A_2] : memref<16384xi32, #tpu.memory_space<hbm>> -> memref<512xi32, #tpu.memory_space<hbm>>
      %dma_wait3A_1233 = tpu.memref_slice %arg4[%mul3A_2] : memref<16384xi32, #tpu.memory_space<hbm>> -> memref<512xi32, #tpu.memory_space<hbm>>
      tpu.wait_dma2 semaphore(%run_scoped3A : memref<!tpu.dma_semaphore, #tpu.memory_space<semaphore_mem>>) src(%dma_wait3A_1233 : memref<512xi32, #tpu.memory_space<hbm>>) dst(%arg9 : memref<512xi32, #tpu.memory_space<vmem>>)
      tpu.yield
    }) : () -> ()
    %dma_wait3A = arith.constant 0 : i32
    %dma_wait3A_17 = arith.constant 0 : i32
    %dma_wait3A_18 = arith.constant 0 : i32
    %dma_wait3A_19 = tpu.memref_slice %arg7[%dma_wait3A, %dma_wait3A_17, %dma_wait3A_18] : memref<2x200x128xi32, #tpu.memory_space<vmem>> -> memref<1x200x128xi32, #tpu.memory_space<vmem>>
    %dma_wait3A_20 = tpu.memref_squeeze %dma_wait3A_19 : memref<1x200x128xi32, #tpu.memory_space<vmem>> -> memref<200x128xi32, #tpu.memory_space<vmem>>
    %dma_wait3A_21 = arith.constant 0 : i32
    %dma_wait3A_22 = tpu.memref_slice %arg2[%dma_wait3A_21, %add3A_4] : memref<200x16384xi32, #tpu.memory_space<hbm>> -> memref<200x128xi32, #tpu.memory_space<hbm>>
    %dma_wait3A_23 = arith.constant 0 : i32
    %dma_wait3A_24 = arith.constant 0 : i32
    %dma_wait3A_25 = tpu.memref_slice %arg7[%dma_wait3A, %dma_wait3A_23, %dma_wait3A_24] : memref<2x200x128xi32, #tpu.memory_space<vmem>> -> memref<1x200x128xi32, #tpu.memory_space<vmem>>
    %dma_wait3A_26 = tpu.memref_squeeze %dma_wait3A_25 : memref<1x200x128xi32, #tpu.memory_space<vmem>> -> memref<200x128xi32, #tpu.memory_space<vmem>>
    %dma_wait3A_27 = arith.constant 0 : i32
    %dma_wait3A_28 = tpu.memref_slice %arg2[%dma_wait3A_27, %add3A_4] : memref<200x16384xi32, #tpu.memory_space<hbm>> -> memref<200x128xi32, #tpu.memory_space<hbm>>
    tpu.wait_dma2 semaphore(%arg12 : memref<!tpu.dma_semaphore, #tpu.memory_space<semaphore_mem>>) src(%dma_wait3A_28 : memref<200x128xi32, #tpu.memory_space<hbm>>) dst(%dma_wait3A_26 : memref<200x128xi32, #tpu.memory_space<vmem>>)
    %add3A_29 = arith.constant 128 : i32
    %add3A_30 = arith.addi %mul3A_2, %add3A_29 : i32
    %dma_start3A_31 = arith.constant 1 : i32
    %dma_start3A_32 = arith.constant 0 : i32
    %dma_start3A_33 = arith.constant 0 : i32
    %dma_start3A_34 = tpu.memref_slice %arg7[%dma_start3A_31, %dma_start3A_32, %dma_start3A_33] : memref<2x200x128xi32, #tpu.memory_space<vmem>> -> memref<1x200x128xi32, #tpu.memory_space<vmem>>
    %dma_start3A_35 = tpu.memref_squeeze %dma_start3A_34 : memref<1x200x128xi32, #tpu.memory_space<vmem>> -> memref<200x128xi32, #tpu.memory_space<vmem>>
    %dma_start3A_36 = arith.constant 0 : i32
    %dma_start3A_37 = tpu.memref_slice %arg2[%dma_start3A_36, %add3A_30] : memref<200x16384xi32, #tpu.memory_space<hbm>> -> memref<200x128xi32, #tpu.memory_space<hbm>>
    %dma_start3A_38 = arith.constant 0 : i32
    %dma_start3A_39 = arith.constant 0 : i32
    %dma_start3A_40 = tpu.memref_slice %arg7[%dma_start3A_31, %dma_start3A_38, %dma_start3A_39] : memref<2x200x128xi32, #tpu.memory_space<vmem>> -> memref<1x200x128xi32, #tpu.memory_space<vmem>>
    %dma_start3A_41 = tpu.memref_squeeze %dma_start3A_40 : memref<1x200x128xi32, #tpu.memory_space<vmem>> -> memref<200x128xi32, #tpu.memory_space<vmem>>
    %dma_start3A_42 = arith.constant 0 : i32
    %dma_start3A_43 = tpu.memref_slice %arg2[%dma_start3A_42, %add3A_30] : memref<200x16384xi32, #tpu.memory_space<hbm>> -> memref<200x128xi32, #tpu.memory_space<hbm>>
    tpu.enqueue_dma source(%dma_start3A_43 : memref<200x128xi32, #tpu.memory_space<hbm>>) target(%dma_start3A_41 : memref<200x128xi32, #tpu.memory_space<vmem>>) target_semaphore(%arg13 : memref<!tpu.dma_semaphore, #tpu.memory_space<semaphore_mem>>)
    %broadcast_in_dim3A = arith.constant 0 : i32
    %broadcast_in_dim3A_44 = vector.broadcast %broadcast_in_dim3A : i32 to vector<16xi32>
    %get3A = arith.constant 0 : index
    %get3A_45 = tpu.vector_load %arg8[%get3A] {strides = array<i32>} : memref<512xi32, #tpu.memory_space<vmem>>, vector<16xi32>,
    %get3A_46 = arith.constant 0 : index
    %get3A_47 = tpu.vector_load %arg9[%get3A_46] {strides = array<i32>} : memref<512xi32, #tpu.memory_space<vmem>>, vector<16xi32>,
    %max3A = arith.constant 0 : i32
    %max3A_48 = vector.broadcast %max3A : i32 to vector<16xi32>
    %max3A_49 = arith.maxsi %get3A_45, %max3A_48 : vector<16xi32>
    %min3A = arith.constant 199 : i32
    %min3A_50 = vector.broadcast %min3A : i32 to vector<16xi32>
    %min3A_51 = arith.minsi %max3A_49, %min3A_50 : vector<16xi32>
    %iota3A = tpu.iota {dimensions = array<i32: 0>} : vector<16xi32>
    %add3A_52 = arith.constant 0 : i32
    %add3A_53 = vector.broadcast %add3A_52 : i32 to vector<16xi32>
    %add3A_54 = arith.addi %add3A_53, %iota3A : vector<16xi32>
    %gather3A = tpu.vector_load_idx %arg7[%broadcast_in_dim3A_44, %min3A_51, %add3A_54] : memref<2x200x128xi32, #tpu.memory_space<vmem>>[vector<16xi32>, vector<16xi32>, vector<16xi32>], vector<16xi32>,
    %broadcast_in_dim3A_55 = arith.constant 1 : i32
    %broadcast_in_dim3A_56 = vector.broadcast %broadcast_in_dim3A_55 : i32 to vector<16xi32>
    %broadcast_in_dim3A_57 = arith.constant 0 : i32
    %broadcast_in_dim3A_58 = vector.broadcast %broadcast_in_dim3A_57 : i32 to vector<16xi32>
    %broadcast_in_dim3A_59 = arith.constant -1 : i32
    %broadcast_in_dim3A_60 = vector.broadcast %broadcast_in_dim3A_59 : i32 to vector<16xi32>
    %ge3A = arith.constant 0 : i32
    %ge3A_61 = vector.broadcast %ge3A : i32 to vector<16xi32>
    %ge3A_62 = arith.cmpi sge, %get3A_45, %ge3A_61 : vector<16xi32>
    %lt3A = arith.cmpi slt, %get3A_45, %get3A_47 : vector<16xi32>
    %select_n3A = arith.select %lt3A, %broadcast_in_dim3A_56, %broadcast_in_dim3A_58 : vector<16xi1>, vector<16xi32>
    %select_n3A_63 = arith.select %ge3A_62, %select_n3A, %broadcast_in_dim3A_58 : vector<16xi1>, vector<16xi32>
    %swap3A = arith.constant 0 : index
    %swap3A_64 = tpu.vector_load %arg11[%swap3A] {strides = array<i32>} : memref<512xi32, #tpu.memory_space<vmem>>, vector<16xi32>,
    tpu.vector_store %arg11[%swap3A], %select_n3A_63 {strides = array<i32>} : memref<512xi32, #tpu.memory_space<vmem>>, vector<16xi32>,
    %gt3A = arith.constant 0 : i32
    %gt3A_65 = vector.broadcast %gt3A : i32 to vector<16xi32>
    %gt3A_66 = arith.cmpi sgt, %select_n3A_63, %gt3A_65 : vector<16xi32>
    %select_n3A_67 = arith.select %gt3A_66, %gather3A, %broadcast_in_dim3A_60 : vector<16xi1>, vector<16xi32>
    %swap3A_68 = arith.constant 0 : index
    %swap3A_69 = tpu.vector_load %arg10[%swap3A_68] {strides = array<i32>} : memref<512xi32, #tpu.memory_space<vmem>>, vector<16xi32>,
    tpu.vector_store %arg10[%swap3A_68], %select_n3A_67 {strides = array<i32>} : memref<512xi32, #tpu.memory_space<vmem>>, vector<16xi32>,
    %get3A_70 = arith.constant 16 : index
    %get3A_71 = tpu.vector_load %arg8[%get3A_70] {strides = array<i32>} : memref<512xi32, #tpu.memory_space<vmem>>, vector<16xi32>,
    %get3A_72 = arith.constant 16 : index
    %get3A_73 = tpu.vector_load %arg9[%get3A_72] {strides = array<i32>} : memref<512xi32, #tpu.memory_space<vmem>>, vector<16xi32>,
    %max3A_74 = arith.constant 0 : i32
    %max3A_75 = vector.broadcast %max3A_74 : i32 to vector<16xi32>
    %max3A_76 = arith.maxsi %get3A_71, %max3A_75 : vector<16xi32>
    %min3A_77 = arith.constant 199 : i32
    %min3A_78 = vector.broadcast %min3A_77 : i32 to vector<16xi32>
    %min3A_79 = arith.minsi %max3A_76, %min3A_78 : vector<16xi32>
    %iota3A_80 = tpu.iota {dimensions = array<i32: 0>} : vector<16xi32>
    %add3A_81 = arith.constant 16 : i32
    %add3A_82 = vector.broadcast %add3A_81 : i32 to vector<16xi32>
    %add3A_83 = arith.addi %add3A_82, %iota3A_80 : vector<16xi32>
    %gather3A_84 = tpu.vector_load_idx %arg7[%broadcast_in_dim3A_44, %min3A_79, %add3A_83] : memref<2x200x128xi32, #tpu.memory_space<vmem>>[vector<16xi32>, vector<16xi32>, vector<16xi32>], vector<16xi32>,
    %broadcast_in_dim3A_85 = arith.constant 1 : i32
    %broadcast_in_dim3A_86 = vector.broadcast %broadcast_in_dim3A_85 : i32 to vector<16xi32>
    %broadcast_in_dim3A_87 = arith.constant 0 : i32
    %broadcast_in_dim3A_88 = vector.broadcast %broadcast_in_dim3A_87 : i32 to vector<16xi32>
    %broadcast_in_dim3A_89 = arith.constant -1 : i32
    %broadcast_in_dim3A_90 = vector.broadcast %broadcast_in_dim3A_89 : i32 to vector<16xi32>
    %ge3A_91 = arith.constant 0 : i32
    %ge3A_92 = vector.broadcast %ge3A_91 : i32 to vector<16xi32>
    %ge3A_93 = arith.cmpi sge, %get3A_71, %ge3A_92 : vector<16xi32>
    %lt3A_94 = arith.cmpi slt, %get3A_71, %get3A_73 : vector<16xi32>
    %select_n3A_95 = arith.select %lt3A_94, %broadcast_in_dim3A_86, %broadcast_in_dim3A_88 : vector<16xi1>, vector<16xi32>
    %select_n3A_96 = arith.select %ge3A_93, %select_n3A_95, %broadcast_in_dim3A_88 : vector<16xi1>, vector<16xi32>
    %swap3A_97 = arith.constant 16 : index
    %swap3A_98 = tpu.vector_load %arg11[%swap3A_97] {strides = array<i32>} : memref<512xi32, #tpu.memory_space<vmem>>, vector<16xi32>,
    tpu.vector_store %arg11[%swap3A_97], %select_n3A_96 {strides = array<i32>} : memref<512xi32, #tpu.memory_space<vmem>>, vector<16xi32>,
    %gt3A_99 = arith.constant 0 : i32
    %gt3A_100 = vector.broadcast %gt3A_99 : i32 to vector<16xi32>
    %gt3A_101 = arith.cmpi sgt, %select_n3A_96, %gt3A_100 : vector<16xi32>
    %select_n3A_102 = arith.select %gt3A_101, %gather3A_84, %broadcast_in_dim3A_90 : vector<16xi1>, vector<16xi32>
    %swap3A_103 = arith.constant 16 : index
    %swap3A_104 = tpu.vector_load %arg10[%swap3A_103] {strides = array<i32>} : memref<512xi32, #tpu.memory_space<vmem>>, vector<16xi32>,
    tpu.vector_store %arg10[%swap3A_103], %select_n3A_102 {strides = array<i32>} : memref<512xi32, #tpu.memory_space<vmem>>, vector<16xi32>,
    %get3A_105 = arith.constant 32 : index
    %get3A_106 = tpu.vector_load %arg8[%get3A_105] {strides = array<i32>} : memref<512xi32, #tpu.memory_space<vmem>>, vector<16xi32>,
    %get3A_107 = arith.constant 32 : index
    %get3A_108 = tpu.vector_load %arg9[%get3A_107] {strides = array<i32>} : memref<512xi32, #tpu.memory_space<vmem>>, vector<16xi32>,
    %max3A_109 = arith.constant 0 : i32
    %max3A_110 = vector.broadcast %max3A_109 : i32 to vector<16xi32>
    %max3A_111 = arith.maxsi %get3A_106, %max3A_110 : vector<16xi32>
    %min3A_112 = arith.constant 199 : i32
    %min3A_113 = vector.broadcast %min3A_112 : i32 to vector<16xi32>
    %min3A_114 = arith.minsi %max3A_111, %min3A_113 : vector<16xi32>
    %iota3A_115 = tpu.iota {dimensions = array<i32: 0>} : vector<16xi32>
    %add3A_116 = arith.constant 32 : i32
    %add3A_117 = vector.broadcast %add3A_116 : i32 to vector<16xi32>
    %add3A_118 = arith.addi %add3A_117, %iota3A_115 : vector<16xi32>
    %gather3A_119 = tpu.vector_load_idx %arg7[%broadcast_in_dim3A_44, %min3A_114, %add3A_118] : memref<2x200x128xi32, #tpu.memory_space<vmem>>[vector<16xi32>, vector<16xi32>, vector<16xi32>], vector<16xi32>,
    %broadcast_in_dim3A_120 = arith.constant 1 : i32
    %broadcast_in_dim3A_121 = vector.broadcast %broadcast_in_dim3A_120 : i32 to vector<16xi32>
    %broadcast_in_dim3A_122 = arith.constant 0 : i32
    %broadcast_in_dim3A_123 = vector.broadcast %broadcast_in_dim3A_122 : i32 to vector<16xi32>
    %broadcast_in_dim3A_124 = arith.constant -1 : i32
    %broadcast_in_dim3A_125 = vector.broadcast %broadcast_in_dim3A_124 : i32 to vector<16xi32>
    %ge3A_126 = arith.constant 0 : i32
    %ge3A_127 = vector.broadcast %ge3A_126 : i32 to vector<16xi32>
    %ge3A_128 = arith.cmpi sge, %get3A_106, %ge3A_127 : vector<16xi32>
    %lt3A_129 = arith.cmpi slt, %get3A_106, %get3A_108 : vector<16xi32>
    %select_n3A_130 = arith.select %lt3A_129, %broadcast_in_dim3A_121, %broadcast_in_dim3A_123 : vector<16xi1>, vector<16xi32>
    %select_n3A_131 = arith.select %ge3A_128, %select_n3A_130, %broadcast_in_dim3A_123 : vector<16xi1>, vector<16xi32>
    %swap3A_132 = arith.constant 32 : index
    %swap3A_133 = tpu.vector_load %arg11[%swap3A_132] {strides = array<i32>} : memref<512xi32, #tpu.memory_space<vmem>>, vector<16xi32>,
    tpu.vector_store %arg11[%swap3A_132], %select_n3A_131 {strides = array<i32>} : memref<512xi32, #tpu.memory_space<vmem>>, vector<16xi32>,
    %gt3A_134 = arith.constant 0 : i32
    %gt3A_135 = vector.broadcast %gt3A_134 : i32 to vector<16xi32>
    %gt3A_136 = arith.cmpi sgt, %select_n3A_131, %gt3A_135 : vector<16xi32>
    %select_n3A_137 = arith.select %gt3A_136, %gather3A_119, %broadcast_in_dim3A_125 : vector<16xi1>, vector<16xi32>
    %swap3A_138 = arith.constant 32 : index
    %swap3A_139 = tpu.vector_load %arg10[%swap3A_138] {strides = array<i32>} : memref<512xi32, #tpu.memory_space<vmem>>, vector<16xi32>,
    tpu.vector_store %arg10[%swap3A_138], %select_n3A_137 {strides = array<i32>} : memref<512xi32, #tpu.memory_space<vmem>>, vector<16xi32>,
    %get3A_140 = arith.constant 48 : index
    %get3A_141 = tpu.vector_load %arg8[%get3A_140] {strides = array<i32>} : memref<512xi32, #tpu.memory_space<vmem>>, vector<16xi32>,
    %get3A_142 = arith.constant 48 : index
    %get3A_143 = tpu.vector_load %arg9[%get3A_142] {strides = array<i32>} : memref<512xi32, #tpu.memory_space<vmem>>, vector<16xi32>,
    %max3A_144 = arith.constant 0 : i32
    %max3A_145 = vector.broadcast %max3A_144 : i32 to vector<16xi32>
    %max3A_146 = arith.maxsi %get3A_141, %max3A_145 : vector<16xi32>
    %min3A_147 = arith.constant 199 : i32
    %min3A_148 = vector.broadcast %min3A_147 : i32 to vector<16xi32>
    %min3A_149 = arith.minsi %max3A_146, %min3A_148 : vector<16xi32>
    %iota3A_150 = tpu.iota {dimensions = array<i32: 0>} : vector<16xi32>
    %add3A_151 = arith.constant 48 : i32
    %add3A_152 = vector.broadcast %add3A_151 : i32 to vector<16xi32>
    %add3A_153 = arith.addi %add3A_152, %iota3A_150 : vector<16xi32>
    %gather3A_154 = tpu.vector_load_idx %arg7[%broadcast_in_dim3A_44, %min3A_149, %add3A_153] : memref<2x200x128xi32, #tpu.memory_space<vmem>>[vector<16xi32>, vector<16xi32>, vector<16xi32>], vector<16xi32>,
    %broadcast_in_dim3A_155 = arith.constant 1 : i32
    %broadcast_in_dim3A_156 = vector.broadcast %broadcast_in_dim3A_155 : i32 to vector<16xi32>
    %broadcast_in_dim3A_157 = arith.constant 0 : i32
    %broadcast_in_dim3A_158 = vector.broadcast %broadcast_in_dim3A_157 : i32 to vector<16xi32>
    %broadcast_in_dim3A_159 = arith.constant -1 : i32
    %broadcast_in_dim3A_160 = vector.broadcast %broadcast_in_dim3A_159 : i32 to vector<16xi32>
    %ge3A_161 = arith.constant 0 : i32
    %ge3A_162 = vector.broadcast %ge3A_161 : i32 to vector<16xi32>
    %ge3A_163 = arith.cmpi sge, %get3A_141, %ge3A_162 : vector<16xi32>
    %lt3A_164 = arith.cmpi slt, %get3A_141, %get3A_143 : vector<16xi32>
    %select_n3A_165 = arith.select %lt3A_164, %broadcast_in_dim3A_156, %broadcast_in_dim3A_158 : vector<16xi1>, vector<16xi32>
    %select_n3A_166 = arith.select %ge3A_163, %select_n3A_165, %broadcast_in_dim3A_158 : vector<16xi1>, vector<16xi32>
    %swap3A_167 = arith.constant 48 : index
    %swap3A_168 = tpu.vector_load %arg11[%swap3A_167] {strides = array<i32>} : memref<512xi32, #tpu.memory_space<vmem>>, vector<16xi32>,
    tpu.vector_store %arg11[%swap3A_167], %select_n3A_166 {strides = array<i32>} : memref<512xi32, #tpu.memory_space<vmem>>, vector<16xi32>,
    %gt3A_169 = arith.constant 0 : i32
    %gt3A_170 = vector.broadcast %gt3A_169 : i32 to vector<16xi32>
    %gt3A_171 = arith.cmpi sgt, %select_n3A_166, %gt3A_170 : vector<16xi32>
    %select_n3A_172 = arith.select %gt3A_171, %gather3A_154, %broadcast_in_dim3A_160 : vector<16xi1>, vector<16xi32>
    %swap3A_173 = arith.constant 48 : index
    %swap3A_174 = tpu.vector_load %arg10[%swap3A_173] {strides = array<i32>} : memref<512xi32, #tpu.memory_space<vmem>>, vector<16xi32>,
    tpu.vector_store %arg10[%swap3A_173], %select_n3A_172 {strides = array<i32>} : memref<512xi32, #tpu.memory_space<vmem>>, vector<16xi32>,
    %get3A_175 = arith.constant 64 : index
    %get3A_176 = tpu.vector_load %arg8[%get3A_175] {strides = array<i32>} : memref<512xi32, #tpu.memory_space<vmem>>, vector<16xi32>,
    %get3A_177 = arith.constant 64 : index
    %get3A_178 = tpu.vector_load %arg9[%get3A_177] {strides = array<i32>} : memref<512xi32, #tpu.memory_space<vmem>>, vector<16xi32>,
    %max3A_179 = arith.constant 0 : i32
    %max3A_180 = vector.broadcast %max3A_179 : i32 to vector<16xi32>
    %max3A_181 = arith.maxsi %get3A_176, %max3A_180 : vector<16xi32>
    %min3A_182 = arith.constant 199 : i32
    %min3A_183 = vector.broadcast %min3A_182 : i32 to vector<16xi32>
    %min3A_184 = arith.minsi %max3A_181, %min3A_183 : vector<16xi32>
    %iota3A_185 = tpu.iota {dimensions = array<i32: 0>} : vector<16xi32>
    %add3A_186 = arith.constant 64 : i32
    %add3A_187 = vector.broadcast %add3A_186 : i32 to vector<16xi32>
    %add3A_188 = arith.addi %add3A_187, %iota3A_185 : vector<16xi32>
    %gather3A_189 = tpu.vector_load_idx %arg7[%broadcast_in_dim3A_44, %min3A_184, %add3A_188] : memref<2x200x128xi32, #tpu.memory_space<vmem>>[vector<16xi32>, vector<16xi32>, vector<16xi32>], vector<16xi32>,
    %broadcast_in_dim3A_190 = arith.constant 1 : i32
    %broadcast_in_dim3A_191 = vector.broadcast %broadcast_in_dim3A_190 : i32 to vector<16xi32>
    %broadcast_in_dim3A_192 = arith.constant 0 : i32
    %broadcast_in_dim3A_193 = vector.broadcast %broadcast_in_dim3A_192 : i32 to vector<16xi32>
    %broadcast_in_dim3A_194 = arith.constant -1 : i32
    %broadcast_in_dim3A_195 = vector.broadcast %broadcast_in_dim3A_194 : i32 to vector<16xi32>
    %ge3A_196 = arith.constant 0 : i32
    %ge3A_197 = vector.broadcast %ge3A_196 : i32 to vector<16xi32>
    %ge3A_198 = arith.cmpi sge, %get3A_176, %ge3A_197 : vector<16xi32>
    %lt3A_199 = arith.cmpi slt, %get3A_176, %get3A_178 : vector<16xi32>
    %select_n3A_200 = arith.select %lt3A_199, %broadcast_in_dim3A_191, %broadcast_in_dim3A_193 : vector<16xi1>, vector<16xi32>
    %select_n3A_201 = arith.select %ge3A_198, %select_n3A_200, %broadcast_in_dim3A_193 : vector<16xi1>, vector<16xi32>
    %swap3A_202 = arith.constant 64 : index
    %swap3A_203 = tpu.vector_load %arg11[%swap3A_202] {strides = array<i32>} : memref<512xi32, #tpu.memory_space<vmem>>, vector<16xi32>,
    tpu.vector_store %arg11[%swap3A_202], %select_n3A_201 {strides = array<i32>} : memref<512xi32, #tpu.memory_space<vmem>>, vector<16xi32>,
    %gt3A_204 = arith.constant 0 : i32
    %gt3A_205 = vector.broadcast %gt3A_204 : i32 to vector<16xi32>
    %gt3A_206 = arith.cmpi sgt, %select_n3A_201, %gt3A_205 : vector<16xi32>
    %select_n3A_207 = arith.select %gt3A_206, %gather3A_189, %broadcast_in_dim3A_195 : vector<16xi1>, vector<16xi32>
    %swap3A_208 = arith.constant 64 : index
    %swap3A_209 = tpu.vector_load %arg10[%swap3A_208] {strides = array<i32>} : memref<512xi32, #tpu.memory_space<vmem>>, vector<16xi32>,
    tpu.vector_store %arg10[%swap3A_208], %select_n3A_207 {strides = array<i32>} : memref<512xi32, #tpu.memory_space<vmem>>, vector<16xi32>,
    %get3A_210 = arith.constant 80 : index
    %get3A_211 = tpu.vector_load %arg8[%get3A_210] {strides = array<i32>} : memref<512xi32, #tpu.memory_space<vmem>>, vector<16xi32>,
    %get3A_212 = arith.constant 80 : index
    %get3A_213 = tpu.vector_load %arg9[%get3A_212] {strides = array<i32>} : memref<512xi32, #tpu.memory_space<vmem>>, vector<16xi32>,
    %max3A_214 = arith.constant 0 : i32
    %max3A_215 = vector.broadcast %max3A_214 : i32 to vector<16xi32>
    %max3A_216 = arith.maxsi %get3A_211, %max3A_215 : vector<16xi32>
    %min3A_217 = arith.constant 199 : i32
    %min3A_218 = vector.broadcast %min3A_217 : i32 to vector<16xi32>
    %min3A_219 = arith.minsi %max3A_216, %min3A_218 : vector<16xi32>
    %iota3A_220 = tpu.iota {dimensions = array<i32: 0>} : vector<16xi32>
    %add3A_221 = arith.constant 80 : i32
    %add3A_222 = vector.broadcast %add3A_221 : i32 to vector<16xi32>
    %add3A_223 = arith.addi %add3A_222, %iota3A_220 : vector<16xi32>
    %gather3A_224 = tpu.vector_load_idx %arg7[%broadcast_in_dim3A_44, %min3A_219, %add3A_223] : memref<2x200x128xi32, #tpu.memory_space<vmem>>[vector<16xi32>, vector<16xi32>, vector<16xi32>], vector<16xi32>,
    %broadcast_in_dim3A_225 = arith.constant 1 : i32
    %broadcast_in_dim3A_226 = vector.broadcast %broadcast_in_dim3A_225 : i32 to vector<16xi32>
    %broadcast_in_dim3A_227 = arith.constant 0 : i32
    %broadcast_in_dim3A_228 = vector.broadcast %broadcast_in_dim3A_227 : i32 to vector<16xi32>
    %broadcast_in_dim3A_229 = arith.constant -1 : i32
    %broadcast_in_dim3A_230 = vector.broadcast %broadcast_in_dim3A_229 : i32 to vector<16xi32>
    %ge3A_231 = arith.constant 0 : i32
    %ge3A_232 = vector.broadcast %ge3A_231 : i32 to vector<16xi32>
    %ge3A_233 = arith.cmpi sge, %get3A_211, %ge3A_232 : vector<16xi32>
    %lt3A_234 = arith.cmpi slt, %get3A_211, %get3A_213 : vector<16xi32>
    %select_n3A_235 = arith.select %lt3A_234, %broadcast_in_dim3A_226, %broadcast_in_dim3A_228 : vector<16xi1>, vector<16xi32>
    %select_n3A_236 = arith.select %ge3A_233, %select_n3A_235, %broadcast_in_dim3A_228 : vector<16xi1>, vector<16xi32>
    %swap3A_237 = arith.constant 80 : index
    %swap3A_238 = tpu.vector_load %arg11[%swap3A_237] {strides = array<i32>} : memref<512xi32, #tpu.memory_space<vmem>>, vector<16xi32>,
    tpu.vector_store %arg11[%swap3A_237], %select_n3A_236 {strides = array<i32>} : memref<512xi32, #tpu.memory_space<vmem>>, vector<16xi32>,
    %gt3A_239 = arith.constant 0 : i32
    %gt3A_240 = vector.broadcast %gt3A_239 : i32 to vector<16xi32>
    %gt3A_241 = arith.cmpi sgt, %select_n3A_236, %gt3A_240 : vector<16xi32>
    %select_n3A_242 = arith.select %gt3A_241, %gather3A_224, %broadcast_in_dim3A_230 : vector<16xi1>, vector<16xi32>
    %swap3A_243 = arith.constant 80 : index
    %swap3A_244 = tpu.vector_load %arg10[%swap3A_243] {strides = array<i32>} : memref<512xi32, #tpu.memory_space<vmem>>, vector<16xi32>,
    tpu.vector_store %arg10[%swap3A_243], %select_n3A_242 {strides = array<i32>} : memref<512xi32, #tpu.memory_space<vmem>>, vector<16xi32>,
    %get3A_245 = arith.constant 96 : index
    %get3A_246 = tpu.vector_load %arg8[%get3A_245] {strides = array<i32>} : memref<512xi32, #tpu.memory_space<vmem>>, vector<16xi32>,
    %get3A_247 = arith.constant 96 : index
    %get3A_248 = tpu.vector_load %arg9[%get3A_247] {strides = array<i32>} : memref<512xi32, #tpu.memory_space<vmem>>, vector<16xi32>,
    %max3A_249 = arith.constant 0 : i32
    %max3A_250 = vector.broadcast %max3A_249 : i32 to vector<16xi32>
    %max3A_251 = arith.maxsi %get3A_246, %max3A_250 : vector<16xi32>
    %min3A_252 = arith.constant 199 : i32
    %min3A_253 = vector.broadcast %min3A_252 : i32 to vector<16xi32>
    %min3A_254 = arith.minsi %max3A_251, %min3A_253 : vector<16xi32>
    %iota3A_255 = tpu.iota {dimensions = array<i32: 0>} : vector<16xi32>
    %add3A_256 = arith.constant 96 : i32
    %add3A_257 = vector.broadcast %add3A_256 : i32 to vector<16xi32>
    %add3A_258 = arith.addi %add3A_257, %iota3A_255 : vector<16xi32>
    %gather3A_259 = tpu.vector_load_idx %arg7[%broadcast_in_dim3A_44, %min3A_254, %add3A_258] : memref<2x200x128xi32, #tpu.memory_space<vmem>>[vector<16xi32>, vector<16xi32>, vector<16xi32>], vector<16xi32>,
    %broadcast_in_dim3A_260 = arith.constant 1 : i32
    %broadcast_in_dim3A_261 = vector.broadcast %broadcast_in_dim3A_260 : i32 to vector<16xi32>
    %broadcast_in_dim3A_262 = arith.constant 0 : i32
    %broadcast_in_dim3A_263 = vector.broadcast %broadcast_in_dim3A_262 : i32 to vector<16xi32>
    %broadcast_in_dim3A_264 = arith.constant -1 : i32
    %broadcast_in_dim3A_265 = vector.broadcast %broadcast_in_dim3A_264 : i32 to vector<16xi32>
    %ge3A_266 = arith.constant 0 : i32
    %ge3A_267 = vector.broadcast %ge3A_266 : i32 to vector<16xi32>
    %ge3A_268 = arith.cmpi sge, %get3A_246, %ge3A_267 : vector<16xi32>
    %lt3A_269 = arith.cmpi slt, %get3A_246, %get3A_248 : vector<16xi32>
    %select_n3A_270 = arith.select %lt3A_269, %broadcast_in_dim3A_261, %broadcast_in_dim3A_263 : vector<16xi1>, vector<16xi32>
    %select_n3A_271 = arith.select %ge3A_268, %select_n3A_270, %broadcast_in_dim3A_263 : vector<16xi1>, vector<16xi32>
    %swap3A_272 = arith.constant 96 : index
    %swap3A_273 = tpu.vector_load %arg11[%swap3A_272] {strides = array<i32>} : memref<512xi32, #tpu.memory_space<vmem>>, vector<16xi32>,
    tpu.vector_store %arg11[%swap3A_272], %select_n3A_271 {strides = array<i32>} : memref<512xi32, #tpu.memory_space<vmem>>, vector<16xi32>,
    %gt3A_274 = arith.constant 0 : i32
    %gt3A_275 = vector.broadcast %gt3A_274 : i32 to vector<16xi32>
    %gt3A_276 = arith.cmpi sgt, %select_n3A_271, %gt3A_275 : vector<16xi32>
    %select_n3A_277 = arith.select %gt3A_276, %gather3A_259, %broadcast_in_dim3A_265 : vector<16xi1>, vector<16xi32>
    %swap3A_278 = arith.constant 96 : index
    %swap3A_279 = tpu.vector_load %arg10[%swap3A_278] {strides = array<i32>} : memref<512xi32, #tpu.memory_space<vmem>>, vector<16xi32>,
    tpu.vector_store %arg10[%swap3A_278], %select_n3A_277 {strides = array<i32>} : memref<512xi32, #tpu.memory_space<vmem>>, vector<16xi32>,
    %get3A_280 = arith.constant 112 : index
    %get3A_281 = tpu.vector_load %arg8[%get3A_280] {strides = array<i32>} : memref<512xi32, #tpu.memory_space<vmem>>, vector<16xi32>,
    %get3A_282 = arith.constant 112 : index
    %get3A_283 = tpu.vector_load %arg9[%get3A_282] {strides = array<i32>} : memref<512xi32, #tpu.memory_space<vmem>>, vector<16xi32>,
    %max3A_284 = arith.constant 0 : i32
    %max3A_285 = vector.broadcast %max3A_284 : i32 to vector<16xi32>
    %max3A_286 = arith.maxsi %get3A_281, %max3A_285 : vector<16xi32>
    %min3A_287 = arith.constant 199 : i32
    %min3A_288 = vector.broadcast %min3A_287 : i32 to vector<16xi32>
    %min3A_289 = arith.minsi %max3A_286, %min3A_288 : vector<16xi32>
    %iota3A_290 = tpu.iota {dimensions = array<i32: 0>} : vector<16xi32>
    %add3A_291 = arith.constant 112 : i32
    %add3A_292 = vector.broadcast %add3A_291 : i32 to vector<16xi32>
    %add3A_293 = arith.addi %add3A_292, %iota3A_290 : vector<16xi32>
    %gather3A_294 = tpu.vector_load_idx %arg7[%broadcast_in_dim3A_44, %min3A_289, %add3A_293] : memref<2x200x128xi32, #tpu.memory_space<vmem>>[vector<16xi32>, vector<16xi32>, vector<16xi32>], vector<16xi32>,
    %broadcast_in_dim3A_295 = arith.constant 1 : i32
    %broadcast_in_dim3A_296 = vector.broadcast %broadcast_in_dim3A_295 : i32 to vector<16xi32>
    %broadcast_in_dim3A_297 = arith.constant 0 : i32
    %broadcast_in_dim3A_298 = vector.broadcast %broadcast_in_dim3A_297 : i32 to vector<16xi32>
    %broadcast_in_dim3A_299 = arith.constant -1 : i32
    %broadcast_in_dim3A_300 = vector.broadcast %broadcast_in_dim3A_299 : i32 to vector<16xi32>
    %ge3A_301 = arith.constant 0 : i32
    %ge3A_302 = vector.broadcast %ge3A_301 : i32 to vector<16xi32>
    %ge3A_303 = arith.cmpi sge, %get3A_281, %ge3A_302 : vector<16xi32>
    %lt3A_304 = arith.cmpi slt, %get3A_281, %get3A_283 : vector<16xi32>
    %select_n3A_305 = arith.select %lt3A_304, %broadcast_in_dim3A_296, %broadcast_in_dim3A_298 : vector<16xi1>, vector<16xi32>
    %select_n3A_306 = arith.select %ge3A_303, %select_n3A_305, %broadcast_in_dim3A_298 : vector<16xi1>, vector<16xi32>
    %swap3A_307 = arith.constant 112 : index
    %swap3A_308 = tpu.vector_load %arg11[%swap3A_307] {strides = array<i32>} : memref<512xi32, #tpu.memory_space<vmem>>, vector<16xi32>,
    tpu.vector_store %arg11[%swap3A_307], %select_n3A_306 {strides = array<i32>} : memref<512xi32, #tpu.memory_space<vmem>>, vector<16xi32>,
    %gt3A_309 = arith.constant 0 : i32
    %gt3A_310 = vector.broadcast %gt3A_309 : i32 to vector<16xi32>
    %gt3A_311 = arith.cmpi sgt, %select_n3A_306, %gt3A_310 : vector<16xi32>
    %select_n3A_312 = arith.select %gt3A_311, %gather3A_294, %broadcast_in_dim3A_300 : vector<16xi1>, vector<16xi32>
    %swap3A_313 = arith.constant 112 : index
    %swap3A_314 = tpu.vector_load %arg10[%swap3A_313] {strides = array<i32>} : memref<512xi32, #tpu.memory_space<vmem>>, vector<16xi32>,
    tpu.vector_store %arg10[%swap3A_313], %select_n3A_312 {strides = array<i32>} : memref<512xi32, #tpu.memory_space<vmem>>, vector<16xi32>,
    %dma_wait3A_315 = arith.constant 1 : i32
    %dma_wait3A_316 = arith.constant 0 : i32
    %dma_wait3A_317 = arith.constant 0 : i32
    %dma_wait3A_318 = tpu.memref_slice %arg7[%dma_wait3A_315, %dma_wait3A_316, %dma_wait3A_317] : memref<2x200x128xi32, #tpu.memory_space<vmem>> -> memref<1x200x128xi32, #tpu.memory_space<vmem>>
    %dma_wait3A_319 = tpu.memref_squeeze %dma_wait3A_318 : memref<1x200x128xi32, #tpu.memory_space<vmem>> -> memref<200x128xi32, #tpu.memory_space<vmem>>
    %dma_wait3A_320 = arith.constant 0 : i32
    %dma_wait3A_321 = tpu.memref_slice %arg2[%dma_wait3A_320, %add3A_30] : memref<200x16384xi32, #tpu.memory_space<hbm>> -> memref<200x128xi32, #tpu.memory_space<hbm>>
    %dma_wait3A_322 = arith.constant 0 : i32
    %dma_wait3A_323 = arith.constant 0 : i32
    %dma_wait3A_324 = tpu.memref_slice %arg7[%dma_wait3A_315, %dma_wait3A_322, %dma_wait3A_323] : memref<2x200x128xi32, #tpu.memory_space<vmem>> -> memref<1x200x128xi32, #tpu.memory_space<vmem>>
    %dma_wait3A_325 = tpu.memref_squeeze %dma_wait3A_324 : memref<1x200x128xi32, #tpu.memory_space<vmem>> -> memref<200x128xi32, #tpu.memory_space<vmem>>
    %dma_wait3A_326 = arith.constant 0 : i32
    %dma_wait3A_327 = tpu.memref_slice %arg2[%dma_wait3A_326, %add3A_30] : memref<200x16384xi32, #tpu.memory_space<hbm>> -> memref<200x128xi32, #tpu.memory_space<hbm>>
    tpu.wait_dma2 semaphore(%arg13 : memref<!tpu.dma_semaphore, #tpu.memory_space<semaphore_mem>>) src(%dma_wait3A_327 : memref<200x128xi32, #tpu.memory_space<hbm>>) dst(%dma_wait3A_325 : memref<200x128xi32, #tpu.memory_space<vmem>>)
    %add3A_328 = arith.constant 256 : i32
    %add3A_329 = arith.addi %mul3A_2, %add3A_328 : i32
    %dma_start3A_330 = arith.constant 0 : i32
    %dma_start3A_331 = arith.constant 0 : i32
    %dma_start3A_332 = arith.constant 0 : i32
    %dma_start3A_333 = tpu.memref_slice %arg7[%dma_start3A_330, %dma_start3A_331, %dma_start3A_332] : memref<2x200x128xi32, #tpu.memory_space<vmem>> -> memref<1x200x128xi32, #tpu.memory_space<vmem>>
    %dma_start3A_334 = tpu.memref_squeeze %dma_start3A_333 : memref<1x200x128xi32, #tpu.memory_space<vmem>> -> memref<200x128xi32, #tpu.memory_space<vmem>>
    %dma_start3A_335 = arith.constant 0 : i32
    %dma_start3A_336 = tpu.memref_slice %arg2[%dma_start3A_335, %add3A_329] : memref<200x16384xi32, #tpu.memory_space<hbm>> -> memref<200x128xi32, #tpu.memory_space<hbm>>
    %dma_start3A_337 = arith.constant 0 : i32
    %dma_start3A_338 = arith.constant 0 : i32
    %dma_start3A_339 = tpu.memref_slice %arg7[%dma_start3A_330, %dma_start3A_337, %dma_start3A_338] : memref<2x200x128xi32, #tpu.memory_space<vmem>> -> memref<1x200x128xi32, #tpu.memory_space<vmem>>
    %dma_start3A_340 = tpu.memref_squeeze %dma_start3A_339 : memref<1x200x128xi32, #tpu.memory_space<vmem>> -> memref<200x128xi32, #tpu.memory_space<vmem>>
    %dma_start3A_341 = arith.constant 0 : i32
    %dma_start3A_342 = tpu.memref_slice %arg2[%dma_start3A_341, %add3A_329] : memref<200x16384xi32, #tpu.memory_space<hbm>> -> memref<200x128xi32, #tpu.memory_space<hbm>>
    tpu.enqueue_dma source(%dma_start3A_342 : memref<200x128xi32, #tpu.memory_space<hbm>>) target(%dma_start3A_340 : memref<200x128xi32, #tpu.memory_space<vmem>>) target_semaphore(%arg12 : memref<!tpu.dma_semaphore, #tpu.memory_space<semaphore_mem>>)
    %broadcast_in_dim3A_343 = arith.constant 1 : i32
    %broadcast_in_dim3A_344 = vector.broadcast %broadcast_in_dim3A_343 : i32 to vector<16xi32>
    %get3A_345 = arith.constant 128 : index
    %get3A_346 = tpu.vector_load %arg8[%get3A_345] {strides = array<i32>} : memref<512xi32, #tpu.memory_space<vmem>>, vector<16xi32>,
    %get3A_347 = arith.constant 128 : index
    %get3A_348 = tpu.vector_load %arg9[%get3A_347] {strides = array<i32>} : memref<512xi32, #tpu.memory_space<vmem>>, vector<16xi32>,
    %max3A_349 = arith.constant 0 : i32
    %max3A_350 = vector.broadcast %max3A_349 : i32 to vector<16xi32>
    %max3A_351 = arith.maxsi %get3A_346, %max3A_350 : vector<16xi32>
    %min3A_352 = arith.constant 199 : i32
    %min3A_353 = vector.broadcast %min3A_352 : i32 to vector<16xi32>
    %min3A_354 = arith.minsi %max3A_351, %min3A_353 : vector<16xi32>
    %iota3A_355 = tpu.iota {dimensions = array<i32: 0>} : vector<16xi32>
    %add3A_356 = arith.constant 0 : i32
    %add3A_357 = vector.broadcast %add3A_356 : i32 to vector<16xi32>
    %add3A_358 = arith.addi %add3A_357, %iota3A_355 : vector<16xi32>
    %gather3A_359 = tpu.vector_load_idx %arg7[%broadcast_in_dim3A_344, %min3A_354, %add3A_358] : memref<2x200x128xi32, #tpu.memory_space<vmem>>[vector<16xi32>, vector<16xi32>, vector<16xi32>], vector<16xi32>,
    %broadcast_in_dim3A_360 = arith.constant 1 : i32
    %broadcast_in_dim3A_361 = vector.broadcast %broadcast_in_dim3A_360 : i32 to vector<16xi32>
    %broadcast_in_dim3A_362 = arith.constant 0 : i32
    %broadcast_in_dim3A_363 = vector.broadcast %broadcast_in_dim3A_362 : i32 to vector<16xi32>
    %broadcast_in_dim3A_364 = arith.constant -1 : i32
    %broadcast_in_dim3A_365 = vector.broadcast %broadcast_in_dim3A_364 : i32 to vector<16xi32>
    %ge3A_366 = arith.constant 0 : i32
    %ge3A_367 = vector.broadcast %ge3A_366 : i32 to vector<16xi32>
    %ge3A_368 = arith.cmpi sge, %get3A_346, %ge3A_367 : vector<16xi32>
    %lt3A_369 = arith.cmpi slt, %get3A_346, %get3A_348 : vector<16xi32>
    %select_n3A_370 = arith.select %lt3A_369, %broadcast_in_dim3A_361, %broadcast_in_dim3A_363 : vector<16xi1>, vector<16xi32>
    %select_n3A_371 = arith.select %ge3A_368, %select_n3A_370, %broadcast_in_dim3A_363 : vector<16xi1>, vector<16xi32>
    %swap3A_372 = arith.constant 128 : index
    %swap3A_373 = tpu.vector_load %arg11[%swap3A_372] {strides = array<i32>} : memref<512xi32, #tpu.memory_space<vmem>>, vector<16xi32>,
    tpu.vector_store %arg11[%swap3A_372], %select_n3A_371 {strides = array<i32>} : memref<512xi32, #tpu.memory_space<vmem>>, vector<16xi32>,
    %gt3A_374 = arith.constant 0 : i32
    %gt3A_375 = vector.broadcast %gt3A_374 : i32 to vector<16xi32>
    %gt3A_376 = arith.cmpi sgt, %select_n3A_371, %gt3A_375 : vector<16xi32>
    %select_n3A_377 = arith.select %gt3A_376, %gather3A_359, %broadcast_in_dim3A_365 : vector<16xi1>, vector<16xi32>
    %swap3A_378 = arith.constant 128 : index
    %swap3A_379 = tpu.vector_load %arg10[%swap3A_378] {strides = array<i32>} : memref<512xi32, #tpu.memory_space<vmem>>, vector<16xi32>,
    tpu.vector_store %arg10[%swap3A_378], %select_n3A_377 {strides = array<i32>} : memref<512xi32, #tpu.memory_space<vmem>>, vector<16xi32>,
    %get3A_380 = arith.constant 144 : index
    %get3A_381 = tpu.vector_load %arg8[%get3A_380] {strides = array<i32>} : memref<512xi32, #tpu.memory_space<vmem>>, vector<16xi32>,
    %get3A_382 = arith.constant 144 : index
    %get3A_383 = tpu.vector_load %arg9[%get3A_382] {strides = array<i32>} : memref<512xi32, #tpu.memory_space<vmem>>, vector<16xi32>,
    %max3A_384 = arith.constant 0 : i32
    %max3A_385 = vector.broadcast %max3A_384 : i32 to vector<16xi32>
    %max3A_386 = arith.maxsi %get3A_381, %max3A_385 : vector<16xi32>
    %min3A_387 = arith.constant 199 : i32
    %min3A_388 = vector.broadcast %min3A_387 : i32 to vector<16xi32>
    %min3A_389 = arith.minsi %max3A_386, %min3A_388 : vector<16xi32>
    %iota3A_390 = tpu.iota {dimensions = array<i32: 0>} : vector<16xi32>
    %add3A_391 = arith.constant 16 : i32
    %add3A_392 = vector.broadcast %add3A_391 : i32 to vector<16xi32>
    %add3A_393 = arith.addi %add3A_392, %iota3A_390 : vector<16xi32>
    %gather3A_394 = tpu.vector_load_idx %arg7[%broadcast_in_dim3A_344, %min3A_389, %add3A_393] : memref<2x200x128xi32, #tpu.memory_space<vmem>>[vector<16xi32>, vector<16xi32>, vector<16xi32>], vector<16xi32>,
    %broadcast_in_dim3A_395 = arith.constant 1 : i32
    %broadcast_in_dim3A_396 = vector.broadcast %broadcast_in_dim3A_395 : i32 to vector<16xi32>
    %broadcast_in_dim3A_397 = arith.constant 0 : i32
    %broadcast_in_dim3A_398 = vector.broadcast %broadcast_in_dim3A_397 : i32 to vector<16xi32>
    %broadcast_in_dim3A_399 = arith.constant -1 : i32
    %broadcast_in_dim3A_400 = vector.broadcast %broadcast_in_dim3A_399 : i32 to vector<16xi32>
    %ge3A_401 = arith.constant 0 : i32
    %ge3A_402 = vector.broadcast %ge3A_401 : i32 to vector<16xi32>
    %ge3A_403 = arith.cmpi sge, %get3A_381, %ge3A_402 : vector<16xi32>
    %lt3A_404 = arith.cmpi slt, %get3A_381, %get3A_383 : vector<16xi32>
    %select_n3A_405 = arith.select %lt3A_404, %broadcast_in_dim3A_396, %broadcast_in_dim3A_398 : vector<16xi1>, vector<16xi32>
    %select_n3A_406 = arith.select %ge3A_403, %select_n3A_405, %broadcast_in_dim3A_398 : vector<16xi1>, vector<16xi32>
    %swap3A_407 = arith.constant 144 : index
    %swap3A_408 = tpu.vector_load %arg11[%swap3A_407] {strides = array<i32>} : memref<512xi32, #tpu.memory_space<vmem>>, vector<16xi32>,
    tpu.vector_store %arg11[%swap3A_407], %select_n3A_406 {strides = array<i32>} : memref<512xi32, #tpu.memory_space<vmem>>, vector<16xi32>,
    %gt3A_409 = arith.constant 0 : i32
    %gt3A_410 = vector.broadcast %gt3A_409 : i32 to vector<16xi32>
    %gt3A_411 = arith.cmpi sgt, %select_n3A_406, %gt3A_410 : vector<16xi32>
    %select_n3A_412 = arith.select %gt3A_411, %gather3A_394, %broadcast_in_dim3A_400 : vector<16xi1>, vector<16xi32>
    %swap3A_413 = arith.constant 144 : index
    %swap3A_414 = tpu.vector_load %arg10[%swap3A_413] {strides = array<i32>} : memref<512xi32, #tpu.memory_space<vmem>>, vector<16xi32>,
    tpu.vector_store %arg10[%swap3A_413], %select_n3A_412 {strides = array<i32>} : memref<512xi32, #tpu.memory_space<vmem>>, vector<16xi32>,
    %get3A_415 = arith.constant 160 : index
    %get3A_416 = tpu.vector_load %arg8[%get3A_415] {strides = array<i32>} : memref<512xi32, #tpu.memory_space<vmem>>, vector<16xi32>,
    %get3A_417 = arith.constant 160 : index
    %get3A_418 = tpu.vector_load %arg9[%get3A_417] {strides = array<i32>} : memref<512xi32, #tpu.memory_space<vmem>>, vector<16xi32>,
    %max3A_419 = arith.constant 0 : i32
    %max3A_420 = vector.broadcast %max3A_419 : i32 to vector<16xi32>
    %max3A_421 = arith.maxsi %get3A_416, %max3A_420 : vector<16xi32>
    %min3A_422 = arith.constant 199 : i32
    %min3A_423 = vector.broadcast %min3A_422 : i32 to vector<16xi32>
    %min3A_424 = arith.minsi %max3A_421, %min3A_423 : vector<16xi32>
    %iota3A_425 = tpu.iota {dimensions = array<i32: 0>} : vector<16xi32>
    %add3A_426 = arith.constant 32 : i32
    %add3A_427 = vector.broadcast %add3A_426 : i32 to vector<16xi32>
    %add3A_428 = arith.addi %add3A_427, %iota3A_425 : vector<16xi32>
    %gather3A_429 = tpu.vector_load_idx %arg7[%broadcast_in_dim3A_344, %min3A_424, %add3A_428] : memref<2x200x128xi32, #tpu.memory_space<vmem>>[vector<16xi32>, vector<16xi32>, vector<16xi32>], vector<16xi32>,
    %broadcast_in_dim3A_430 = arith.constant 1 : i32
    %broadcast_in_dim3A_431 = vector.broadcast %broadcast_in_dim3A_430 : i32 to vector<16xi32>
    %broadcast_in_dim3A_432 = arith.constant 0 : i32
    %broadcast_in_dim3A_433 = vector.broadcast %broadcast_in_dim3A_432 : i32 to vector<16xi32>
    %broadcast_in_dim3A_434 = arith.constant -1 : i32
    %broadcast_in_dim3A_435 = vector.broadcast %broadcast_in_dim3A_434 : i32 to vector<16xi32>
    %ge3A_436 = arith.constant 0 : i32
    %ge3A_437 = vector.broadcast %ge3A_436 : i32 to vector<16xi32>
    %ge3A_438 = arith.cmpi sge, %get3A_416, %ge3A_437 : vector<16xi32>
    %lt3A_439 = arith.cmpi slt, %get3A_416, %get3A_418 : vector<16xi32>
    %select_n3A_440 = arith.select %lt3A_439, %broadcast_in_dim3A_431, %broadcast_in_dim3A_433 : vector<16xi1>, vector<16xi32>
    %select_n3A_441 = arith.select %ge3A_438, %select_n3A_440, %broadcast_in_dim3A_433 : vector<16xi1>, vector<16xi32>
    %swap3A_442 = arith.constant 160 : index
    %swap3A_443 = tpu.vector_load %arg11[%swap3A_442] {strides = array<i32>} : memref<512xi32, #tpu.memory_space<vmem>>, vector<16xi32>,
    tpu.vector_store %arg11[%swap3A_442], %select_n3A_441 {strides = array<i32>} : memref<512xi32, #tpu.memory_space<vmem>>, vector<16xi32>,
    %gt3A_444 = arith.constant 0 : i32
    %gt3A_445 = vector.broadcast %gt3A_444 : i32 to vector<16xi32>
    %gt3A_446 = arith.cmpi sgt, %select_n3A_441, %gt3A_445 : vector<16xi32>
    %select_n3A_447 = arith.select %gt3A_446, %gather3A_429, %broadcast_in_dim3A_435 : vector<16xi1>, vector<16xi32>
    %swap3A_448 = arith.constant 160 : index
    %swap3A_449 = tpu.vector_load %arg10[%swap3A_448] {strides = array<i32>} : memref<512xi32, #tpu.memory_space<vmem>>, vector<16xi32>,
    tpu.vector_store %arg10[%swap3A_448], %select_n3A_447 {strides = array<i32>} : memref<512xi32, #tpu.memory_space<vmem>>, vector<16xi32>,
    %get3A_450 = arith.constant 176 : index
    %get3A_451 = tpu.vector_load %arg8[%get3A_450] {strides = array<i32>} : memref<512xi32, #tpu.memory_space<vmem>>, vector<16xi32>,
    %get3A_452 = arith.constant 176 : index
    %get3A_453 = tpu.vector_load %arg9[%get3A_452] {strides = array<i32>} : memref<512xi32, #tpu.memory_space<vmem>>, vector<16xi32>,
    %max3A_454 = arith.constant 0 : i32
    %max3A_455 = vector.broadcast %max3A_454 : i32 to vector<16xi32>
    %max3A_456 = arith.maxsi %get3A_451, %max3A_455 : vector<16xi32>
    %min3A_457 = arith.constant 199 : i32
    %min3A_458 = vector.broadcast %min3A_457 : i32 to vector<16xi32>
    %min3A_459 = arith.minsi %max3A_456, %min3A_458 : vector<16xi32>
    %iota3A_460 = tpu.iota {dimensions = array<i32: 0>} : vector<16xi32>
    %add3A_461 = arith.constant 48 : i32
    %add3A_462 = vector.broadcast %add3A_461 : i32 to vector<16xi32>
    %add3A_463 = arith.addi %add3A_462, %iota3A_460 : vector<16xi32>
    %gather3A_464 = tpu.vector_load_idx %arg7[%broadcast_in_dim3A_344, %min3A_459, %add3A_463] : memref<2x200x128xi32, #tpu.memory_space<vmem>>[vector<16xi32>, vector<16xi32>, vector<16xi32>], vector<16xi32>,
    %broadcast_in_dim3A_465 = arith.constant 1 : i32
    %broadcast_in_dim3A_466 = vector.broadcast %broadcast_in_dim3A_465 : i32 to vector<16xi32>
    %broadcast_in_dim3A_467 = arith.constant 0 : i32
    %broadcast_in_dim3A_468 = vector.broadcast %broadcast_in_dim3A_467 : i32 to vector<16xi32>
    %broadcast_in_dim3A_469 = arith.constant -1 : i32
    %broadcast_in_dim3A_470 = vector.broadcast %broadcast_in_dim3A_469 : i32 to vector<16xi32>
    %ge3A_471 = arith.constant 0 : i32
    %ge3A_472 = vector.broadcast %ge3A_471 : i32 to vector<16xi32>
    %ge3A_473 = arith.cmpi sge, %get3A_451, %ge3A_472 : vector<16xi32>
    %lt3A_474 = arith.cmpi slt, %get3A_451, %get3A_453 : vector<16xi32>
    %select_n3A_475 = arith.select %lt3A_474, %broadcast_in_dim3A_466, %broadcast_in_dim3A_468 : vector<16xi1>, vector<16xi32>
    %select_n3A_476 = arith.select %ge3A_473, %select_n3A_475, %broadcast_in_dim3A_468 : vector<16xi1>, vector<16xi32>
    %swap3A_477 = arith.constant 176 : index
    %swap3A_478 = tpu.vector_load %arg11[%swap3A_477] {strides = array<i32>} : memref<512xi32, #tpu.memory_space<vmem>>, vector<16xi32>,
    tpu.vector_store %arg11[%swap3A_477], %select_n3A_476 {strides = array<i32>} : memref<512xi32, #tpu.memory_space<vmem>>, vector<16xi32>,
    %gt3A_479 = arith.constant 0 : i32
    %gt3A_480 = vector.broadcast %gt3A_479 : i32 to vector<16xi32>
    %gt3A_481 = arith.cmpi sgt, %select_n3A_476, %gt3A_480 : vector<16xi32>
    %select_n3A_482 = arith.select %gt3A_481, %gather3A_464, %broadcast_in_dim3A_470 : vector<16xi1>, vector<16xi32>
    %swap3A_483 = arith.constant 176 : index
    %swap3A_484 = tpu.vector_load %arg10[%swap3A_483] {strides = array<i32>} : memref<512xi32, #tpu.memory_space<vmem>>, vector<16xi32>,
    tpu.vector_store %arg10[%swap3A_483], %select_n3A_482 {strides = array<i32>} : memref<512xi32, #tpu.memory_space<vmem>>, vector<16xi32>,
    %get3A_485 = arith.constant 192 : index
    %get3A_486 = tpu.vector_load %arg8[%get3A_485] {strides = array<i32>} : memref<512xi32, #tpu.memory_space<vmem>>, vector<16xi32>,
    %get3A_487 = arith.constant 192 : index
    %get3A_488 = tpu.vector_load %arg9[%get3A_487] {strides = array<i32>} : memref<512xi32, #tpu.memory_space<vmem>>, vector<16xi32>,
    %max3A_489 = arith.constant 0 : i32
    %max3A_490 = vector.broadcast %max3A_489 : i32 to vector<16xi32>
    %max3A_491 = arith.maxsi %get3A_486, %max3A_490 : vector<16xi32>
    %min3A_492 = arith.constant 199 : i32
    %min3A_493 = vector.broadcast %min3A_492 : i32 to vector<16xi32>
    %min3A_494 = arith.minsi %max3A_491, %min3A_493 : vector<16xi32>
    %iota3A_495 = tpu.iota {dimensions = array<i32: 0>} : vector<16xi32>
    %add3A_496 = arith.constant 64 : i32
    %add3A_497 = vector.broadcast %add3A_496 : i32 to vector<16xi32>
    %add3A_498 = arith.addi %add3A_497, %iota3A_495 : vector<16xi32>
    %gather3A_499 = tpu.vector_load_idx %arg7[%broadcast_in_dim3A_344, %min3A_494, %add3A_498] : memref<2x200x128xi32, #tpu.memory_space<vmem>>[vector<16xi32>, vector<16xi32>, vector<16xi32>], vector<16xi32>,
    %broadcast_in_dim3A_500 = arith.constant 1 : i32
    %broadcast_in_dim3A_501 = vector.broadcast %broadcast_in_dim3A_500 : i32 to vector<16xi32>
    %broadcast_in_dim3A_502 = arith.constant 0 : i32
    %broadcast_in_dim3A_503 = vector.broadcast %broadcast_in_dim3A_502 : i32 to vector<16xi32>
    %broadcast_in_dim3A_504 = arith.constant -1 : i32
    %broadcast_in_dim3A_505 = vector.broadcast %broadcast_in_dim3A_504 : i32 to vector<16xi32>
    %ge3A_506 = arith.constant 0 : i32
    %ge3A_507 = vector.broadcast %ge3A_506 : i32 to vector<16xi32>
    %ge3A_508 = arith.cmpi sge, %get3A_486, %ge3A_507 : vector<16xi32>
    %lt3A_509 = arith.cmpi slt, %get3A_486, %get3A_488 : vector<16xi32>
    %select_n3A_510 = arith.select %lt3A_509, %broadcast_in_dim3A_501, %broadcast_in_dim3A_503 : vector<16xi1>, vector<16xi32>
    %select_n3A_511 = arith.select %ge3A_508, %select_n3A_510, %broadcast_in_dim3A_503 : vector<16xi1>, vector<16xi32>
    %swap3A_512 = arith.constant 192 : index
    %swap3A_513 = tpu.vector_load %arg11[%swap3A_512] {strides = array<i32>} : memref<512xi32, #tpu.memory_space<vmem>>, vector<16xi32>,
    tpu.vector_store %arg11[%swap3A_512], %select_n3A_511 {strides = array<i32>} : memref<512xi32, #tpu.memory_space<vmem>>, vector<16xi32>,
    %gt3A_514 = arith.constant 0 : i32
    %gt3A_515 = vector.broadcast %gt3A_514 : i32 to vector<16xi32>
    %gt3A_516 = arith.cmpi sgt, %select_n3A_511, %gt3A_515 : vector<16xi32>
    %select_n3A_517 = arith.select %gt3A_516, %gather3A_499, %broadcast_in_dim3A_505 : vector<16xi1>, vector<16xi32>
    %swap3A_518 = arith.constant 192 : index
    %swap3A_519 = tpu.vector_load %arg10[%swap3A_518] {strides = array<i32>} : memref<512xi32, #tpu.memory_space<vmem>>, vector<16xi32>,
    tpu.vector_store %arg10[%swap3A_518], %select_n3A_517 {strides = array<i32>} : memref<512xi32, #tpu.memory_space<vmem>>, vector<16xi32>,
    %get3A_520 = arith.constant 208 : index
    %get3A_521 = tpu.vector_load %arg8[%get3A_520] {strides = array<i32>} : memref<512xi32, #tpu.memory_space<vmem>>, vector<16xi32>,
    %get3A_522 = arith.constant 208 : index
    %get3A_523 = tpu.vector_load %arg9[%get3A_522] {strides = array<i32>} : memref<512xi32, #tpu.memory_space<vmem>>, vector<16xi32>,
    %max3A_524 = arith.constant 0 : i32
    %max3A_525 = vector.broadcast %max3A_524 : i32 to vector<16xi32>
    %max3A_526 = arith.maxsi %get3A_521, %max3A_525 : vector<16xi32>
    %min3A_527 = arith.constant 199 : i32
    %min3A_528 = vector.broadcast %min3A_527 : i32 to vector<16xi32>
    %min3A_529 = arith.minsi %max3A_526, %min3A_528 : vector<16xi32>
    %iota3A_530 = tpu.iota {dimensions = array<i32: 0>} : vector<16xi32>
    %add3A_531 = arith.constant 80 : i32
    %add3A_532 = vector.broadcast %add3A_531 : i32 to vector<16xi32>
    %add3A_533 = arith.addi %add3A_532, %iota3A_530 : vector<16xi32>
    %gather3A_534 = tpu.vector_load_idx %arg7[%broadcast_in_dim3A_344, %min3A_529, %add3A_533] : memref<2x200x128xi32, #tpu.memory_space<vmem>>[vector<16xi32>, vector<16xi32>, vector<16xi32>], vector<16xi32>,
    %broadcast_in_dim3A_535 = arith.constant 1 : i32
    %broadcast_in_dim3A_536 = vector.broadcast %broadcast_in_dim3A_535 : i32 to vector<16xi32>
    %broadcast_in_dim3A_537 = arith.constant 0 : i32
    %broadcast_in_dim3A_538 = vector.broadcast %broadcast_in_dim3A_537 : i32 to vector<16xi32>
    %broadcast_in_dim3A_539 = arith.constant -1 : i32
    %broadcast_in_dim3A_540 = vector.broadcast %broadcast_in_dim3A_539 : i32 to vector<16xi32>
    %ge3A_541 = arith.constant 0 : i32
    %ge3A_542 = vector.broadcast %ge3A_541 : i32 to vector<16xi32>
    %ge3A_543 = arith.cmpi sge, %get3A_521, %ge3A_542 : vector<16xi32>
    %lt3A_544 = arith.cmpi slt, %get3A_521, %get3A_523 : vector<16xi32>
    %select_n3A_545 = arith.select %lt3A_544, %broadcast_in_dim3A_536, %broadcast_in_dim3A_538 : vector<16xi1>, vector<16xi32>
    %select_n3A_546 = arith.select %ge3A_543, %select_n3A_545, %broadcast_in_dim3A_538 : vector<16xi1>, vector<16xi32>
    %swap3A_547 = arith.constant 208 : index
    %swap3A_548 = tpu.vector_load %arg11[%swap3A_547] {strides = array<i32>} : memref<512xi32, #tpu.memory_space<vmem>>, vector<16xi32>,
    tpu.vector_store %arg11[%swap3A_547], %select_n3A_546 {strides = array<i32>} : memref<512xi32, #tpu.memory_space<vmem>>, vector<16xi32>,
    %gt3A_549 = arith.constant 0 : i32
    %gt3A_550 = vector.broadcast %gt3A_549 : i32 to vector<16xi32>
    %gt3A_551 = arith.cmpi sgt, %select_n3A_546, %gt3A_550 : vector<16xi32>
    %select_n3A_552 = arith.select %gt3A_551, %gather3A_534, %broadcast_in_dim3A_540 : vector<16xi1>, vector<16xi32>
    %swap3A_553 = arith.constant 208 : index
    %swap3A_554 = tpu.vector_load %arg10[%swap3A_553] {strides = array<i32>} : memref<512xi32, #tpu.memory_space<vmem>>, vector<16xi32>,
    tpu.vector_store %arg10[%swap3A_553], %select_n3A_552 {strides = array<i32>} : memref<512xi32, #tpu.memory_space<vmem>>, vector<16xi32>,
    %get3A_555 = arith.constant 224 : index
    %get3A_556 = tpu.vector_load %arg8[%get3A_555] {strides = array<i32>} : memref<512xi32, #tpu.memory_space<vmem>>, vector<16xi32>,
    %get3A_557 = arith.constant 224 : index
    %get3A_558 = tpu.vector_load %arg9[%get3A_557] {strides = array<i32>} : memref<512xi32, #tpu.memory_space<vmem>>, vector<16xi32>,
    %max3A_559 = arith.constant 0 : i32
    %max3A_560 = vector.broadcast %max3A_559 : i32 to vector<16xi32>
    %max3A_561 = arith.maxsi %get3A_556, %max3A_560 : vector<16xi32>
    %min3A_562 = arith.constant 199 : i32
    %min3A_563 = vector.broadcast %min3A_562 : i32 to vector<16xi32>
    %min3A_564 = arith.minsi %max3A_561, %min3A_563 : vector<16xi32>
    %iota3A_565 = tpu.iota {dimensions = array<i32: 0>} : vector<16xi32>
    %add3A_566 = arith.constant 96 : i32
    %add3A_567 = vector.broadcast %add3A_566 : i32 to vector<16xi32>
    %add3A_568 = arith.addi %add3A_567, %iota3A_565 : vector<16xi32>
    %gather3A_569 = tpu.vector_load_idx %arg7[%broadcast_in_dim3A_344, %min3A_564, %add3A_568] : memref<2x200x128xi32, #tpu.memory_space<vmem>>[vector<16xi32>, vector<16xi32>, vector<16xi32>], vector<16xi32>,
    %broadcast_in_dim3A_570 = arith.constant 1 : i32
    %broadcast_in_dim3A_571 = vector.broadcast %broadcast_in_dim3A_570 : i32 to vector<16xi32>
    %broadcast_in_dim3A_572 = arith.constant 0 : i32
    %broadcast_in_dim3A_573 = vector.broadcast %broadcast_in_dim3A_572 : i32 to vector<16xi32>
    %broadcast_in_dim3A_574 = arith.constant -1 : i32
    %broadcast_in_dim3A_575 = vector.broadcast %broadcast_in_dim3A_574 : i32 to vector<16xi32>
    %ge3A_576 = arith.constant 0 : i32
    %ge3A_577 = vector.broadcast %ge3A_576 : i32 to vector<16xi32>
    %ge3A_578 = arith.cmpi sge, %get3A_556, %ge3A_577 : vector<16xi32>
    %lt3A_579 = arith.cmpi slt, %get3A_556, %get3A_558 : vector<16xi32>
    %select_n3A_580 = arith.select %lt3A_579, %broadcast_in_dim3A_571, %broadcast_in_dim3A_573 : vector<16xi1>, vector<16xi32>
    %select_n3A_581 = arith.select %ge3A_578, %select_n3A_580, %broadcast_in_dim3A_573 : vector<16xi1>, vector<16xi32>
    %swap3A_582 = arith.constant 224 : index
    %swap3A_583 = tpu.vector_load %arg11[%swap3A_582] {strides = array<i32>} : memref<512xi32, #tpu.memory_space<vmem>>, vector<16xi32>,
    tpu.vector_store %arg11[%swap3A_582], %select_n3A_581 {strides = array<i32>} : memref<512xi32, #tpu.memory_space<vmem>>, vector<16xi32>,
    %gt3A_584 = arith.constant 0 : i32
    %gt3A_585 = vector.broadcast %gt3A_584 : i32 to vector<16xi32>
    %gt3A_586 = arith.cmpi sgt, %select_n3A_581, %gt3A_585 : vector<16xi32>
    %select_n3A_587 = arith.select %gt3A_586, %gather3A_569, %broadcast_in_dim3A_575 : vector<16xi1>, vector<16xi32>
    %swap3A_588 = arith.constant 224 : index
    %swap3A_589 = tpu.vector_load %arg10[%swap3A_588] {strides = array<i32>} : memref<512xi32, #tpu.memory_space<vmem>>, vector<16xi32>,
    tpu.vector_store %arg10[%swap3A_588], %select_n3A_587 {strides = array<i32>} : memref<512xi32, #tpu.memory_space<vmem>>, vector<16xi32>,
    %get3A_590 = arith.constant 240 : index
    %get3A_591 = tpu.vector_load %arg8[%get3A_590] {strides = array<i32>} : memref<512xi32, #tpu.memory_space<vmem>>, vector<16xi32>,
    %get3A_592 = arith.constant 240 : index
    %get3A_593 = tpu.vector_load %arg9[%get3A_592] {strides = array<i32>} : memref<512xi32, #tpu.memory_space<vmem>>, vector<16xi32>,
    %max3A_594 = arith.constant 0 : i32
    %max3A_595 = vector.broadcast %max3A_594 : i32 to vector<16xi32>
    %max3A_596 = arith.maxsi %get3A_591, %max3A_595 : vector<16xi32>
    %min3A_597 = arith.constant 199 : i32
    %min3A_598 = vector.broadcast %min3A_597 : i32 to vector<16xi32>
    %min3A_599 = arith.minsi %max3A_596, %min3A_598 : vector<16xi32>
    %iota3A_600 = tpu.iota {dimensions = array<i32: 0>} : vector<16xi32>
    %add3A_601 = arith.constant 112 : i32
    %add3A_602 = vector.broadcast %add3A_601 : i32 to vector<16xi32>
    %add3A_603 = arith.addi %add3A_602, %iota3A_600 : vector<16xi32>
    %gather3A_604 = tpu.vector_load_idx %arg7[%broadcast_in_dim3A_344, %min3A_599, %add3A_603] : memref<2x200x128xi32, #tpu.memory_space<vmem>>[vector<16xi32>, vector<16xi32>, vector<16xi32>], vector<16xi32>,
    %broadcast_in_dim3A_605 = arith.constant 1 : i32
    %broadcast_in_dim3A_606 = vector.broadcast %broadcast_in_dim3A_605 : i32 to vector<16xi32>
    %broadcast_in_dim3A_607 = arith.constant 0 : i32
    %broadcast_in_dim3A_608 = vector.broadcast %broadcast_in_dim3A_607 : i32 to vector<16xi32>
    %broadcast_in_dim3A_609 = arith.constant -1 : i32
    %broadcast_in_dim3A_610 = vector.broadcast %broadcast_in_dim3A_609 : i32 to vector<16xi32>
    %ge3A_611 = arith.constant 0 : i32
    %ge3A_612 = vector.broadcast %ge3A_611 : i32 to vector<16xi32>
    %ge3A_613 = arith.cmpi sge, %get3A_591, %ge3A_612 : vector<16xi32>
    %lt3A_614 = arith.cmpi slt, %get3A_591, %get3A_593 : vector<16xi32>
    %select_n3A_615 = arith.select %lt3A_614, %broadcast_in_dim3A_606, %broadcast_in_dim3A_608 : vector<16xi1>, vector<16xi32>
    %select_n3A_616 = arith.select %ge3A_613, %select_n3A_615, %broadcast_in_dim3A_608 : vector<16xi1>, vector<16xi32>
    %swap3A_617 = arith.constant 240 : index
    %swap3A_618 = tpu.vector_load %arg11[%swap3A_617] {strides = array<i32>} : memref<512xi32, #tpu.memory_space<vmem>>, vector<16xi32>,
    tpu.vector_store %arg11[%swap3A_617], %select_n3A_616 {strides = array<i32>} : memref<512xi32, #tpu.memory_space<vmem>>, vector<16xi32>,
    %gt3A_619 = arith.constant 0 : i32
    %gt3A_620 = vector.broadcast %gt3A_619 : i32 to vector<16xi32>
    %gt3A_621 = arith.cmpi sgt, %select_n3A_616, %gt3A_620 : vector<16xi32>
    %select_n3A_622 = arith.select %gt3A_621, %gather3A_604, %broadcast_in_dim3A_610 : vector<16xi1>, vector<16xi32>
    %swap3A_623 = arith.constant 240 : index
    %swap3A_624 = tpu.vector_load %arg10[%swap3A_623] {strides = array<i32>} : memref<512xi32, #tpu.memory_space<vmem>>, vector<16xi32>,
    tpu.vector_store %arg10[%swap3A_623], %select_n3A_622 {strides = array<i32>} : memref<512xi32, #tpu.memory_space<vmem>>, vector<16xi32>,
    %dma_wait3A_625 = arith.constant 0 : i32
    %dma_wait3A_626 = arith.constant 0 : i32
    %dma_wait3A_627 = arith.constant 0 : i32
    %dma_wait3A_628 = tpu.memref_slice %arg7[%dma_wait3A_625, %dma_wait3A_626, %dma_wait3A_627] : memref<2x200x128xi32, #tpu.memory_space<vmem>> -> memref<1x200x128xi32, #tpu.memory_space<vmem>>
    %dma_wait3A_629 = tpu.memref_squeeze %dma_wait3A_628 : memref<1x200x128xi32, #tpu.memory_space<vmem>> -> memref<200x128xi32, #tpu.memory_space<vmem>>
    %dma_wait3A_630 = arith.constant 0 : i32
    %dma_wait3A_631 = tpu.memref_slice %arg2[%dma_wait3A_630, %add3A_329] : memref<200x16384xi32, #tpu.memory_space<hbm>> -> memref<200x128xi32, #tpu.memory_space<hbm>>
    %dma_wait3A_632 = arith.constant 0 : i32
    %dma_wait3A_633 = arith.constant 0 : i32
    %dma_wait3A_634 = tpu.memref_slice %arg7[%dma_wait3A_625, %dma_wait3A_632, %dma_wait3A_633] : memref<2x200x128xi32, #tpu.memory_space<vmem>> -> memref<1x200x128xi32, #tpu.memory_space<vmem>>
    %dma_wait3A_635 = tpu.memref_squeeze %dma_wait3A_634 : memref<1x200x128xi32, #tpu.memory_space<vmem>> -> memref<200x128xi32, #tpu.memory_space<vmem>>
    %dma_wait3A_636 = arith.constant 0 : i32
    %dma_wait3A_637 = tpu.memref_slice %arg2[%dma_wait3A_636, %add3A_329] : memref<200x16384xi32, #tpu.memory_space<hbm>> -> memref<200x128xi32, #tpu.memory_space<hbm>>
    tpu.wait_dma2 semaphore(%arg12 : memref<!tpu.dma_semaphore, #tpu.memory_space<semaphore_mem>>) src(%dma_wait3A_637 : memref<200x128xi32, #tpu.memory_space<hbm>>) dst(%dma_wait3A_635 : memref<200x128xi32, #tpu.memory_space<vmem>>)
    %add3A_638 = arith.constant 384 : i32
    %add3A_639 = arith.addi %mul3A_2, %add3A_638 : i32
    %dma_start3A_640 = arith.constant 1 : i32
    %dma_start3A_641 = arith.constant 0 : i32
    %dma_start3A_642 = arith.constant 0 : i32
    %dma_start3A_643 = tpu.memref_slice %arg7[%dma_start3A_640, %dma_start3A_641, %dma_start3A_642] : memref<2x200x128xi32, #tpu.memory_space<vmem>> -> memref<1x200x128xi32, #tpu.memory_space<vmem>>
    %dma_start3A_644 = tpu.memref_squeeze %dma_start3A_643 : memref<1x200x128xi32, #tpu.memory_space<vmem>> -> memref<200x128xi32, #tpu.memory_space<vmem>>
    %dma_start3A_645 = arith.constant 0 : i32
    %dma_start3A_646 = tpu.memref_slice %arg2[%dma_start3A_645, %add3A_639] : memref<200x16384xi32, #tpu.memory_space<hbm>> -> memref<200x128xi32, #tpu.memory_space<hbm>>
    %dma_start3A_647 = arith.constant 0 : i32
    %dma_start3A_648 = arith.constant 0 : i32
    %dma_start3A_649 = tpu.memref_slice %arg7[%dma_start3A_640, %dma_start3A_647, %dma_start3A_648] : memref<2x200x128xi32, #tpu.memory_space<vmem>> -> memref<1x200x128xi32, #tpu.memory_space<vmem>>
    %dma_start3A_650 = tpu.memref_squeeze %dma_start3A_649 : memref<1x200x128xi32, #tpu.memory_space<vmem>> -> memref<200x128xi32, #tpu.memory_space<vmem>>
    %dma_start3A_651 = arith.constant 0 : i32
    %dma_start3A_652 = tpu.memref_slice %arg2[%dma_start3A_651, %add3A_639] : memref<200x16384xi32, #tpu.memory_space<hbm>> -> memref<200x128xi32, #tpu.memory_space<hbm>>
    tpu.enqueue_dma source(%dma_start3A_652 : memref<200x128xi32, #tpu.memory_space<hbm>>) target(%dma_start3A_650 : memref<200x128xi32, #tpu.memory_space<vmem>>) target_semaphore(%arg13 : memref<!tpu.dma_semaphore, #tpu.memory_space<semaphore_mem>>)
    %broadcast_in_dim3A_653 = arith.constant 0 : i32
    %broadcast_in_dim3A_654 = vector.broadcast %broadcast_in_dim3A_653 : i32 to vector<16xi32>
    %get3A_655 = arith.constant 256 : index
    %get3A_656 = tpu.vector_load %arg8[%get3A_655] {strides = array<i32>} : memref<512xi32, #tpu.memory_space<vmem>>, vector<16xi32>,
    %get3A_657 = arith.constant 256 : index
    %get3A_658 = tpu.vector_load %arg9[%get3A_657] {strides = array<i32>} : memref<512xi32, #tpu.memory_space<vmem>>, vector<16xi32>,
    %max3A_659 = arith.constant 0 : i32
    %max3A_660 = vector.broadcast %max3A_659 : i32 to vector<16xi32>
    %max3A_661 = arith.maxsi %get3A_656, %max3A_660 : vector<16xi32>
    %min3A_662 = arith.constant 199 : i32
    %min3A_663 = vector.broadcast %min3A_662 : i32 to vector<16xi32>
    %min3A_664 = arith.minsi %max3A_661, %min3A_663 : vector<16xi32>
    %iota3A_665 = tpu.iota {dimensions = array<i32: 0>} : vector<16xi32>
    %add3A_666 = arith.constant 0 : i32
    %add3A_667 = vector.broadcast %add3A_666 : i32 to vector<16xi32>
    %add3A_668 = arith.addi %add3A_667, %iota3A_665 : vector<16xi32>
    %gather3A_669 = tpu.vector_load_idx %arg7[%broadcast_in_dim3A_654, %min3A_664, %add3A_668] : memref<2x200x128xi32, #tpu.memory_space<vmem>>[vector<16xi32>, vector<16xi32>, vector<16xi32>], vector<16xi32>,
    %broadcast_in_dim3A_670 = arith.constant 1 : i32
    %broadcast_in_dim3A_671 = vector.broadcast %broadcast_in_dim3A_670 : i32 to vector<16xi32>
    %broadcast_in_dim3A_672 = arith.constant 0 : i32
    %broadcast_in_dim3A_673 = vector.broadcast %broadcast_in_dim3A_672 : i32 to vector<16xi32>
    %broadcast_in_dim3A_674 = arith.constant -1 : i32
    %broadcast_in_dim3A_675 = vector.broadcast %broadcast_in_dim3A_674 : i32 to vector<16xi32>
    %ge3A_676 = arith.constant 0 : i32
    %ge3A_677 = vector.broadcast %ge3A_676 : i32 to vector<16xi32>
    %ge3A_678 = arith.cmpi sge, %get3A_656, %ge3A_677 : vector<16xi32>
    %lt3A_679 = arith.cmpi slt, %get3A_656, %get3A_658 : vector<16xi32>
    %select_n3A_680 = arith.select %lt3A_679, %broadcast_in_dim3A_671, %broadcast_in_dim3A_673 : vector<16xi1>, vector<16xi32>
    %select_n3A_681 = arith.select %ge3A_678, %select_n3A_680, %broadcast_in_dim3A_673 : vector<16xi1>, vector<16xi32>
    %swap3A_682 = arith.constant 256 : index
    %swap3A_683 = tpu.vector_load %arg11[%swap3A_682] {strides = array<i32>} : memref<512xi32, #tpu.memory_space<vmem>>, vector<16xi32>,
    tpu.vector_store %arg11[%swap3A_682], %select_n3A_681 {strides = array<i32>} : memref<512xi32, #tpu.memory_space<vmem>>, vector<16xi32>,
    %gt3A_684 = arith.constant 0 : i32
    %gt3A_685 = vector.broadcast %gt3A_684 : i32 to vector<16xi32>
    %gt3A_686 = arith.cmpi sgt, %select_n3A_681, %gt3A_685 : vector<16xi32>
    %select_n3A_687 = arith.select %gt3A_686, %gather3A_669, %broadcast_in_dim3A_675 : vector<16xi1>, vector<16xi32>
    %swap3A_688 = arith.constant 256 : index
    %swap3A_689 = tpu.vector_load %arg10[%swap3A_688] {strides = array<i32>} : memref<512xi32, #tpu.memory_space<vmem>>, vector<16xi32>,
    tpu.vector_store %arg10[%swap3A_688], %select_n3A_687 {strides = array<i32>} : memref<512xi32, #tpu.memory_space<vmem>>, vector<16xi32>,
    %get3A_690 = arith.constant 272 : index
    %get3A_691 = tpu.vector_load %arg8[%get3A_690] {strides = array<i32>} : memref<512xi32, #tpu.memory_space<vmem>>, vector<16xi32>,
    %get3A_692 = arith.constant 272 : index
    %get3A_693 = tpu.vector_load %arg9[%get3A_692] {strides = array<i32>} : memref<512xi32, #tpu.memory_space<vmem>>, vector<16xi32>,
    %max3A_694 = arith.constant 0 : i32
    %max3A_695 = vector.broadcast %max3A_694 : i32 to vector<16xi32>
    %max3A_696 = arith.maxsi %get3A_691, %max3A_695 : vector<16xi32>
    %min3A_697 = arith.constant 199 : i32
    %min3A_698 = vector.broadcast %min3A_697 : i32 to vector<16xi32>
    %min3A_699 = arith.minsi %max3A_696, %min3A_698 : vector<16xi32>
    %iota3A_700 = tpu.iota {dimensions = array<i32: 0>} : vector<16xi32>
    %add3A_701 = arith.constant 16 : i32
    %add3A_702 = vector.broadcast %add3A_701 : i32 to vector<16xi32>
    %add3A_703 = arith.addi %add3A_702, %iota3A_700 : vector<16xi32>
    %gather3A_704 = tpu.vector_load_idx %arg7[%broadcast_in_dim3A_654, %min3A_699, %add3A_703] : memref<2x200x128xi32, #tpu.memory_space<vmem>>[vector<16xi32>, vector<16xi32>, vector<16xi32>], vector<16xi32>,
    %broadcast_in_dim3A_705 = arith.constant 1 : i32
    %broadcast_in_dim3A_706 = vector.broadcast %broadcast_in_dim3A_705 : i32 to vector<16xi32>
    %broadcast_in_dim3A_707 = arith.constant 0 : i32
    %broadcast_in_dim3A_708 = vector.broadcast %broadcast_in_dim3A_707 : i32 to vector<16xi32>
    %broadcast_in_dim3A_709 = arith.constant -1 : i32
    %broadcast_in_dim3A_710 = vector.broadcast %broadcast_in_dim3A_709 : i32 to vector<16xi32>
    %ge3A_711 = arith.constant 0 : i32
    %ge3A_712 = vector.broadcast %ge3A_711 : i32 to vector<16xi32>
    %ge3A_713 = arith.cmpi sge, %get3A_691, %ge3A_712 : vector<16xi32>
    %lt3A_714 = arith.cmpi slt, %get3A_691, %get3A_693 : vector<16xi32>
    %select_n3A_715 = arith.select %lt3A_714, %broadcast_in_dim3A_706, %broadcast_in_dim3A_708 : vector<16xi1>, vector<16xi32>
    %select_n3A_716 = arith.select %ge3A_713, %select_n3A_715, %broadcast_in_dim3A_708 : vector<16xi1>, vector<16xi32>
    %swap3A_717 = arith.constant 272 : index
    %swap3A_718 = tpu.vector_load %arg11[%swap3A_717] {strides = array<i32>} : memref<512xi32, #tpu.memory_space<vmem>>, vector<16xi32>,
    tpu.vector_store %arg11[%swap3A_717], %select_n3A_716 {strides = array<i32>} : memref<512xi32, #tpu.memory_space<vmem>>, vector<16xi32>,
    %gt3A_719 = arith.constant 0 : i32
    %gt3A_720 = vector.broadcast %gt3A_719 : i32 to vector<16xi32>
    %gt3A_721 = arith.cmpi sgt, %select_n3A_716, %gt3A_720 : vector<16xi32>
    %select_n3A_722 = arith.select %gt3A_721, %gather3A_704, %broadcast_in_dim3A_710 : vector<16xi1>, vector<16xi32>
    %swap3A_723 = arith.constant 272 : index
    %swap3A_724 = tpu.vector_load %arg10[%swap3A_723] {strides = array<i32>} : memref<512xi32, #tpu.memory_space<vmem>>, vector<16xi32>,
    tpu.vector_store %arg10[%swap3A_723], %select_n3A_722 {strides = array<i32>} : memref<512xi32, #tpu.memory_space<vmem>>, vector<16xi32>,
    %get3A_725 = arith.constant 288 : index
    %get3A_726 = tpu.vector_load %arg8[%get3A_725] {strides = array<i32>} : memref<512xi32, #tpu.memory_space<vmem>>, vector<16xi32>,
    %get3A_727 = arith.constant 288 : index
    %get3A_728 = tpu.vector_load %arg9[%get3A_727] {strides = array<i32>} : memref<512xi32, #tpu.memory_space<vmem>>, vector<16xi32>,
    %max3A_729 = arith.constant 0 : i32
    %max3A_730 = vector.broadcast %max3A_729 : i32 to vector<16xi32>
    %max3A_731 = arith.maxsi %get3A_726, %max3A_730 : vector<16xi32>
    %min3A_732 = arith.constant 199 : i32
    %min3A_733 = vector.broadcast %min3A_732 : i32 to vector<16xi32>
    %min3A_734 = arith.minsi %max3A_731, %min3A_733 : vector<16xi32>
    %iota3A_735 = tpu.iota {dimensions = array<i32: 0>} : vector<16xi32>
    %add3A_736 = arith.constant 32 : i32
    %add3A_737 = vector.broadcast %add3A_736 : i32 to vector<16xi32>
    %add3A_738 = arith.addi %add3A_737, %iota3A_735 : vector<16xi32>
    %gather3A_739 = tpu.vector_load_idx %arg7[%broadcast_in_dim3A_654, %min3A_734, %add3A_738] : memref<2x200x128xi32, #tpu.memory_space<vmem>>[vector<16xi32>, vector<16xi32>, vector<16xi32>], vector<16xi32>,
    %broadcast_in_dim3A_740 = arith.constant 1 : i32
    %broadcast_in_dim3A_741 = vector.broadcast %broadcast_in_dim3A_740 : i32 to vector<16xi32>
    %broadcast_in_dim3A_742 = arith.constant 0 : i32
    %broadcast_in_dim3A_743 = vector.broadcast %broadcast_in_dim3A_742 : i32 to vector<16xi32>
    %broadcast_in_dim3A_744 = arith.constant -1 : i32
    %broadcast_in_dim3A_745 = vector.broadcast %broadcast_in_dim3A_744 : i32 to vector<16xi32>
    %ge3A_746 = arith.constant 0 : i32
    %ge3A_747 = vector.broadcast %ge3A_746 : i32 to vector<16xi32>
    %ge3A_748 = arith.cmpi sge, %get3A_726, %ge3A_747 : vector<16xi32>
    %lt3A_749 = arith.cmpi slt, %get3A_726, %get3A_728 : vector<16xi32>
    %select_n3A_750 = arith.select %lt3A_749, %broadcast_in_dim3A_741, %broadcast_in_dim3A_743 : vector<16xi1>, vector<16xi32>
    %select_n3A_751 = arith.select %ge3A_748, %select_n3A_750, %broadcast_in_dim3A_743 : vector<16xi1>, vector<16xi32>
    %swap3A_752 = arith.constant 288 : index
    %swap3A_753 = tpu.vector_load %arg11[%swap3A_752] {strides = array<i32>} : memref<512xi32, #tpu.memory_space<vmem>>, vector<16xi32>,
    tpu.vector_store %arg11[%swap3A_752], %select_n3A_751 {strides = array<i32>} : memref<512xi32, #tpu.memory_space<vmem>>, vector<16xi32>,
    %gt3A_754 = arith.constant 0 : i32
    %gt3A_755 = vector.broadcast %gt3A_754 : i32 to vector<16xi32>
    %gt3A_756 = arith.cmpi sgt, %select_n3A_751, %gt3A_755 : vector<16xi32>
    %select_n3A_757 = arith.select %gt3A_756, %gather3A_739, %broadcast_in_dim3A_745 : vector<16xi1>, vector<16xi32>
    %swap3A_758 = arith.constant 288 : index
    %swap3A_759 = tpu.vector_load %arg10[%swap3A_758] {strides = array<i32>} : memref<512xi32, #tpu.memory_space<vmem>>, vector<16xi32>,
    tpu.vector_store %arg10[%swap3A_758], %select_n3A_757 {strides = array<i32>} : memref<512xi32, #tpu.memory_space<vmem>>, vector<16xi32>,
    %get3A_760 = arith.constant 304 : index
    %get3A_761 = tpu.vector_load %arg8[%get3A_760] {strides = array<i32>} : memref<512xi32, #tpu.memory_space<vmem>>, vector<16xi32>,
    %get3A_762 = arith.constant 304 : index
    %get3A_763 = tpu.vector_load %arg9[%get3A_762] {strides = array<i32>} : memref<512xi32, #tpu.memory_space<vmem>>, vector<16xi32>,
    %max3A_764 = arith.constant 0 : i32
    %max3A_765 = vector.broadcast %max3A_764 : i32 to vector<16xi32>
    %max3A_766 = arith.maxsi %get3A_761, %max3A_765 : vector<16xi32>
    %min3A_767 = arith.constant 199 : i32
    %min3A_768 = vector.broadcast %min3A_767 : i32 to vector<16xi32>
    %min3A_769 = arith.minsi %max3A_766, %min3A_768 : vector<16xi32>
    %iota3A_770 = tpu.iota {dimensions = array<i32: 0>} : vector<16xi32>
    %add3A_771 = arith.constant 48 : i32
    %add3A_772 = vector.broadcast %add3A_771 : i32 to vector<16xi32>
    %add3A_773 = arith.addi %add3A_772, %iota3A_770 : vector<16xi32>
    %gather3A_774 = tpu.vector_load_idx %arg7[%broadcast_in_dim3A_654, %min3A_769, %add3A_773] : memref<2x200x128xi32, #tpu.memory_space<vmem>>[vector<16xi32>, vector<16xi32>, vector<16xi32>], vector<16xi32>,
    %broadcast_in_dim3A_775 = arith.constant 1 : i32
    %broadcast_in_dim3A_776 = vector.broadcast %broadcast_in_dim3A_775 : i32 to vector<16xi32>
    %broadcast_in_dim3A_777 = arith.constant 0 : i32
    %broadcast_in_dim3A_778 = vector.broadcast %broadcast_in_dim3A_777 : i32 to vector<16xi32>
    %broadcast_in_dim3A_779 = arith.constant -1 : i32
    %broadcast_in_dim3A_780 = vector.broadcast %broadcast_in_dim3A_779 : i32 to vector<16xi32>
    %ge3A_781 = arith.constant 0 : i32
    %ge3A_782 = vector.broadcast %ge3A_781 : i32 to vector<16xi32>
    %ge3A_783 = arith.cmpi sge, %get3A_761, %ge3A_782 : vector<16xi32>
    %lt3A_784 = arith.cmpi slt, %get3A_761, %get3A_763 : vector<16xi32>
    %select_n3A_785 = arith.select %lt3A_784, %broadcast_in_dim3A_776, %broadcast_in_dim3A_778 : vector<16xi1>, vector<16xi32>
    %select_n3A_786 = arith.select %ge3A_783, %select_n3A_785, %broadcast_in_dim3A_778 : vector<16xi1>, vector<16xi32>
    %swap3A_787 = arith.constant 304 : index
    %swap3A_788 = tpu.vector_load %arg11[%swap3A_787] {strides = array<i32>} : memref<512xi32, #tpu.memory_space<vmem>>, vector<16xi32>,
    tpu.vector_store %arg11[%swap3A_787], %select_n3A_786 {strides = array<i32>} : memref<512xi32, #tpu.memory_space<vmem>>, vector<16xi32>,
    %gt3A_789 = arith.constant 0 : i32
    %gt3A_790 = vector.broadcast %gt3A_789 : i32 to vector<16xi32>
    %gt3A_791 = arith.cmpi sgt, %select_n3A_786, %gt3A_790 : vector<16xi32>
    %select_n3A_792 = arith.select %gt3A_791, %gather3A_774, %broadcast_in_dim3A_780 : vector<16xi1>, vector<16xi32>
    %swap3A_793 = arith.constant 304 : index
    %swap3A_794 = tpu.vector_load %arg10[%swap3A_793] {strides = array<i32>} : memref<512xi32, #tpu.memory_space<vmem>>, vector<16xi32>,
    tpu.vector_store %arg10[%swap3A_793], %select_n3A_792 {strides = array<i32>} : memref<512xi32, #tpu.memory_space<vmem>>, vector<16xi32>,
    %get3A_795 = arith.constant 320 : index
    %get3A_796 = tpu.vector_load %arg8[%get3A_795] {strides = array<i32>} : memref<512xi32, #tpu.memory_space<vmem>>, vector<16xi32>,
    %get3A_797 = arith.constant 320 : index
    %get3A_798 = tpu.vector_load %arg9[%get3A_797] {strides = array<i32>} : memref<512xi32, #tpu.memory_space<vmem>>, vector<16xi32>,
    %max3A_799 = arith.constant 0 : i32
    %max3A_800 = vector.broadcast %max3A_799 : i32 to vector<16xi32>
    %max3A_801 = arith.maxsi %get3A_796, %max3A_800 : vector<16xi32>
    %min3A_802 = arith.constant 199 : i32
    %min3A_803 = vector.broadcast %min3A_802 : i32 to vector<16xi32>
    %min3A_804 = arith.minsi %max3A_801, %min3A_803 : vector<16xi32>
    %iota3A_805 = tpu.iota {dimensions = array<i32: 0>} : vector<16xi32>
    %add3A_806 = arith.constant 64 : i32
    %add3A_807 = vector.broadcast %add3A_806 : i32 to vector<16xi32>
    %add3A_808 = arith.addi %add3A_807, %iota3A_805 : vector<16xi32>
    %gather3A_809 = tpu.vector_load_idx %arg7[%broadcast_in_dim3A_654, %min3A_804, %add3A_808] : memref<2x200x128xi32, #tpu.memory_space<vmem>>[vector<16xi32>, vector<16xi32>, vector<16xi32>], vector<16xi32>,
    %broadcast_in_dim3A_810 = arith.constant 1 : i32
    %broadcast_in_dim3A_811 = vector.broadcast %broadcast_in_dim3A_810 : i32 to vector<16xi32>
    %broadcast_in_dim3A_812 = arith.constant 0 : i32
    %broadcast_in_dim3A_813 = vector.broadcast %broadcast_in_dim3A_812 : i32 to vector<16xi32>
    %broadcast_in_dim3A_814 = arith.constant -1 : i32
    %broadcast_in_dim3A_815 = vector.broadcast %broadcast_in_dim3A_814 : i32 to vector<16xi32>
    %ge3A_816 = arith.constant 0 : i32
    %ge3A_817 = vector.broadcast %ge3A_816 : i32 to vector<16xi32>
    %ge3A_818 = arith.cmpi sge, %get3A_796, %ge3A_817 : vector<16xi32>
    %lt3A_819 = arith.cmpi slt, %get3A_796, %get3A_798 : vector<16xi32>
    %select_n3A_820 = arith.select %lt3A_819, %broadcast_in_dim3A_811, %broadcast_in_dim3A_813 : vector<16xi1>, vector<16xi32>
    %select_n3A_821 = arith.select %ge3A_818, %select_n3A_820, %broadcast_in_dim3A_813 : vector<16xi1>, vector<16xi32>
    %swap3A_822 = arith.constant 320 : index
    %swap3A_823 = tpu.vector_load %arg11[%swap3A_822] {strides = array<i32>} : memref<512xi32, #tpu.memory_space<vmem>>, vector<16xi32>,
    tpu.vector_store %arg11[%swap3A_822], %select_n3A_821 {strides = array<i32>} : memref<512xi32, #tpu.memory_space<vmem>>, vector<16xi32>,
    %gt3A_824 = arith.constant 0 : i32
    %gt3A_825 = vector.broadcast %gt3A_824 : i32 to vector<16xi32>
    %gt3A_826 = arith.cmpi sgt, %select_n3A_821, %gt3A_825 : vector<16xi32>
    %select_n3A_827 = arith.select %gt3A_826, %gather3A_809, %broadcast_in_dim3A_815 : vector<16xi1>, vector<16xi32>
    %swap3A_828 = arith.constant 320 : index
    %swap3A_829 = tpu.vector_load %arg10[%swap3A_828] {strides = array<i32>} : memref<512xi32, #tpu.memory_space<vmem>>, vector<16xi32>,
    tpu.vector_store %arg10[%swap3A_828], %select_n3A_827 {strides = array<i32>} : memref<512xi32, #tpu.memory_space<vmem>>, vector<16xi32>,
    %get3A_830 = arith.constant 336 : index
    %get3A_831 = tpu.vector_load %arg8[%get3A_830] {strides = array<i32>} : memref<512xi32, #tpu.memory_space<vmem>>, vector<16xi32>,
    %get3A_832 = arith.constant 336 : index
    %get3A_833 = tpu.vector_load %arg9[%get3A_832] {strides = array<i32>} : memref<512xi32, #tpu.memory_space<vmem>>, vector<16xi32>,
    %max3A_834 = arith.constant 0 : i32
    %max3A_835 = vector.broadcast %max3A_834 : i32 to vector<16xi32>
    %max3A_836 = arith.maxsi %get3A_831, %max3A_835 : vector<16xi32>
    %min3A_837 = arith.constant 199 : i32
    %min3A_838 = vector.broadcast %min3A_837 : i32 to vector<16xi32>
    %min3A_839 = arith.minsi %max3A_836, %min3A_838 : vector<16xi32>
    %iota3A_840 = tpu.iota {dimensions = array<i32: 0>} : vector<16xi32>
    %add3A_841 = arith.constant 80 : i32
    %add3A_842 = vector.broadcast %add3A_841 : i32 to vector<16xi32>
    %add3A_843 = arith.addi %add3A_842, %iota3A_840 : vector<16xi32>
    %gather3A_844 = tpu.vector_load_idx %arg7[%broadcast_in_dim3A_654, %min3A_839, %add3A_843] : memref<2x200x128xi32, #tpu.memory_space<vmem>>[vector<16xi32>, vector<16xi32>, vector<16xi32>], vector<16xi32>,
    %broadcast_in_dim3A_845 = arith.constant 1 : i32
    %broadcast_in_dim3A_846 = vector.broadcast %broadcast_in_dim3A_845 : i32 to vector<16xi32>
    %broadcast_in_dim3A_847 = arith.constant 0 : i32
    %broadcast_in_dim3A_848 = vector.broadcast %broadcast_in_dim3A_847 : i32 to vector<16xi32>
    %broadcast_in_dim3A_849 = arith.constant -1 : i32
    %broadcast_in_dim3A_850 = vector.broadcast %broadcast_in_dim3A_849 : i32 to vector<16xi32>
    %ge3A_851 = arith.constant 0 : i32
    %ge3A_852 = vector.broadcast %ge3A_851 : i32 to vector<16xi32>
    %ge3A_853 = arith.cmpi sge, %get3A_831, %ge3A_852 : vector<16xi32>
    %lt3A_854 = arith.cmpi slt, %get3A_831, %get3A_833 : vector<16xi32>
    %select_n3A_855 = arith.select %lt3A_854, %broadcast_in_dim3A_846, %broadcast_in_dim3A_848 : vector<16xi1>, vector<16xi32>
    %select_n3A_856 = arith.select %ge3A_853, %select_n3A_855, %broadcast_in_dim3A_848 : vector<16xi1>, vector<16xi32>
    %swap3A_857 = arith.constant 336 : index
    %swap3A_858 = tpu.vector_load %arg11[%swap3A_857] {strides = array<i32>} : memref<512xi32, #tpu.memory_space<vmem>>, vector<16xi32>,
    tpu.vector_store %arg11[%swap3A_857], %select_n3A_856 {strides = array<i32>} : memref<512xi32, #tpu.memory_space<vmem>>, vector<16xi32>,
    %gt3A_859 = arith.constant 0 : i32
    %gt3A_860 = vector.broadcast %gt3A_859 : i32 to vector<16xi32>
    %gt3A_861 = arith.cmpi sgt, %select_n3A_856, %gt3A_860 : vector<16xi32>
    %select_n3A_862 = arith.select %gt3A_861, %gather3A_844, %broadcast_in_dim3A_850 : vector<16xi1>, vector<16xi32>
    %swap3A_863 = arith.constant 336 : index
    %swap3A_864 = tpu.vector_load %arg10[%swap3A_863] {strides = array<i32>} : memref<512xi32, #tpu.memory_space<vmem>>, vector<16xi32>,
    tpu.vector_store %arg10[%swap3A_863], %select_n3A_862 {strides = array<i32>} : memref<512xi32, #tpu.memory_space<vmem>>, vector<16xi32>,
    %get3A_865 = arith.constant 352 : index
    %get3A_866 = tpu.vector_load %arg8[%get3A_865] {strides = array<i32>} : memref<512xi32, #tpu.memory_space<vmem>>, vector<16xi32>,
    %get3A_867 = arith.constant 352 : index
    %get3A_868 = tpu.vector_load %arg9[%get3A_867] {strides = array<i32>} : memref<512xi32, #tpu.memory_space<vmem>>, vector<16xi32>,
    %max3A_869 = arith.constant 0 : i32
    %max3A_870 = vector.broadcast %max3A_869 : i32 to vector<16xi32>
    %max3A_871 = arith.maxsi %get3A_866, %max3A_870 : vector<16xi32>
    %min3A_872 = arith.constant 199 : i32
    %min3A_873 = vector.broadcast %min3A_872 : i32 to vector<16xi32>
    %min3A_874 = arith.minsi %max3A_871, %min3A_873 : vector<16xi32>
    %iota3A_875 = tpu.iota {dimensions = array<i32: 0>} : vector<16xi32>
    %add3A_876 = arith.constant 96 : i32
    %add3A_877 = vector.broadcast %add3A_876 : i32 to vector<16xi32>
    %add3A_878 = arith.addi %add3A_877, %iota3A_875 : vector<16xi32>
    %gather3A_879 = tpu.vector_load_idx %arg7[%broadcast_in_dim3A_654, %min3A_874, %add3A_878] : memref<2x200x128xi32, #tpu.memory_space<vmem>>[vector<16xi32>, vector<16xi32>, vector<16xi32>], vector<16xi32>,
    %broadcast_in_dim3A_880 = arith.constant 1 : i32
    %broadcast_in_dim3A_881 = vector.broadcast %broadcast_in_dim3A_880 : i32 to vector<16xi32>
    %broadcast_in_dim3A_882 = arith.constant 0 : i32
    %broadcast_in_dim3A_883 = vector.broadcast %broadcast_in_dim3A_882 : i32 to vector<16xi32>
    %broadcast_in_dim3A_884 = arith.constant -1 : i32
    %broadcast_in_dim3A_885 = vector.broadcast %broadcast_in_dim3A_884 : i32 to vector<16xi32>
    %ge3A_886 = arith.constant 0 : i32
    %ge3A_887 = vector.broadcast %ge3A_886 : i32 to vector<16xi32>
    %ge3A_888 = arith.cmpi sge, %get3A_866, %ge3A_887 : vector<16xi32>
    %lt3A_889 = arith.cmpi slt, %get3A_866, %get3A_868 : vector<16xi32>
    %select_n3A_890 = arith.select %lt3A_889, %broadcast_in_dim3A_881, %broadcast_in_dim3A_883 : vector<16xi1>, vector<16xi32>
    %select_n3A_891 = arith.select %ge3A_888, %select_n3A_890, %broadcast_in_dim3A_883 : vector<16xi1>, vector<16xi32>
    %swap3A_892 = arith.constant 352 : index
    %swap3A_893 = tpu.vector_load %arg11[%swap3A_892] {strides = array<i32>} : memref<512xi32, #tpu.memory_space<vmem>>, vector<16xi32>,
    tpu.vector_store %arg11[%swap3A_892], %select_n3A_891 {strides = array<i32>} : memref<512xi32, #tpu.memory_space<vmem>>, vector<16xi32>,
    %gt3A_894 = arith.constant 0 : i32
    %gt3A_895 = vector.broadcast %gt3A_894 : i32 to vector<16xi32>
    %gt3A_896 = arith.cmpi sgt, %select_n3A_891, %gt3A_895 : vector<16xi32>
    %select_n3A_897 = arith.select %gt3A_896, %gather3A_879, %broadcast_in_dim3A_885 : vector<16xi1>, vector<16xi32>
    %swap3A_898 = arith.constant 352 : index
    %swap3A_899 = tpu.vector_load %arg10[%swap3A_898] {strides = array<i32>} : memref<512xi32, #tpu.memory_space<vmem>>, vector<16xi32>,
    tpu.vector_store %arg10[%swap3A_898], %select_n3A_897 {strides = array<i32>} : memref<512xi32, #tpu.memory_space<vmem>>, vector<16xi32>,
    %get3A_900 = arith.constant 368 : index
    %get3A_901 = tpu.vector_load %arg8[%get3A_900] {strides = array<i32>} : memref<512xi32, #tpu.memory_space<vmem>>, vector<16xi32>,
    %get3A_902 = arith.constant 368 : index
    %get3A_903 = tpu.vector_load %arg9[%get3A_902] {strides = array<i32>} : memref<512xi32, #tpu.memory_space<vmem>>, vector<16xi32>,
    %max3A_904 = arith.constant 0 : i32
    %max3A_905 = vector.broadcast %max3A_904 : i32 to vector<16xi32>
    %max3A_906 = arith.maxsi %get3A_901, %max3A_905 : vector<16xi32>
    %min3A_907 = arith.constant 199 : i32
    %min3A_908 = vector.broadcast %min3A_907 : i32 to vector<16xi32>
    %min3A_909 = arith.minsi %max3A_906, %min3A_908 : vector<16xi32>
    %iota3A_910 = tpu.iota {dimensions = array<i32: 0>} : vector<16xi32>
    %add3A_911 = arith.constant 112 : i32
    %add3A_912 = vector.broadcast %add3A_911 : i32 to vector<16xi32>
    %add3A_913 = arith.addi %add3A_912, %iota3A_910 : vector<16xi32>
    %gather3A_914 = tpu.vector_load_idx %arg7[%broadcast_in_dim3A_654, %min3A_909, %add3A_913] : memref<2x200x128xi32, #tpu.memory_space<vmem>>[vector<16xi32>, vector<16xi32>, vector<16xi32>], vector<16xi32>,
    %broadcast_in_dim3A_915 = arith.constant 1 : i32
    %broadcast_in_dim3A_916 = vector.broadcast %broadcast_in_dim3A_915 : i32 to vector<16xi32>
    %broadcast_in_dim3A_917 = arith.constant 0 : i32
    %broadcast_in_dim3A_918 = vector.broadcast %broadcast_in_dim3A_917 : i32 to vector<16xi32>
    %broadcast_in_dim3A_919 = arith.constant -1 : i32
    %broadcast_in_dim3A_920 = vector.broadcast %broadcast_in_dim3A_919 : i32 to vector<16xi32>
    %ge3A_921 = arith.constant 0 : i32
    %ge3A_922 = vector.broadcast %ge3A_921 : i32 to vector<16xi32>
    %ge3A_923 = arith.cmpi sge, %get3A_901, %ge3A_922 : vector<16xi32>
    %lt3A_924 = arith.cmpi slt, %get3A_901, %get3A_903 : vector<16xi32>
    %select_n3A_925 = arith.select %lt3A_924, %broadcast_in_dim3A_916, %broadcast_in_dim3A_918 : vector<16xi1>, vector<16xi32>
    %select_n3A_926 = arith.select %ge3A_923, %select_n3A_925, %broadcast_in_dim3A_918 : vector<16xi1>, vector<16xi32>
    %swap3A_927 = arith.constant 368 : index
    %swap3A_928 = tpu.vector_load %arg11[%swap3A_927] {strides = array<i32>} : memref<512xi32, #tpu.memory_space<vmem>>, vector<16xi32>,
    tpu.vector_store %arg11[%swap3A_927], %select_n3A_926 {strides = array<i32>} : memref<512xi32, #tpu.memory_space<vmem>>, vector<16xi32>,
    %gt3A_929 = arith.constant 0 : i32
    %gt3A_930 = vector.broadcast %gt3A_929 : i32 to vector<16xi32>
    %gt3A_931 = arith.cmpi sgt, %select_n3A_926, %gt3A_930 : vector<16xi32>
    %select_n3A_932 = arith.select %gt3A_931, %gather3A_914, %broadcast_in_dim3A_920 : vector<16xi1>, vector<16xi32>
    %swap3A_933 = arith.constant 368 : index
    %swap3A_934 = tpu.vector_load %arg10[%swap3A_933] {strides = array<i32>} : memref<512xi32, #tpu.memory_space<vmem>>, vector<16xi32>,
    tpu.vector_store %arg10[%swap3A_933], %select_n3A_932 {strides = array<i32>} : memref<512xi32, #tpu.memory_space<vmem>>, vector<16xi32>,
    %dma_wait3A_935 = arith.constant 1 : i32
    %dma_wait3A_936 = arith.constant 0 : i32
    %dma_wait3A_937 = arith.constant 0 : i32
    %dma_wait3A_938 = tpu.memref_slice %arg7[%dma_wait3A_935, %dma_wait3A_936, %dma_wait3A_937] : memref<2x200x128xi32, #tpu.memory_space<vmem>> -> memref<1x200x128xi32, #tpu.memory_space<vmem>>
    %dma_wait3A_939 = tpu.memref_squeeze %dma_wait3A_938 : memref<1x200x128xi32, #tpu.memory_space<vmem>> -> memref<200x128xi32, #tpu.memory_space<vmem>>
    %dma_wait3A_940 = arith.constant 0 : i32
    %dma_wait3A_941 = tpu.memref_slice %arg2[%dma_wait3A_940, %add3A_639] : memref<200x16384xi32, #tpu.memory_space<hbm>> -> memref<200x128xi32, #tpu.memory_space<hbm>>
    %dma_wait3A_942 = arith.constant 0 : i32
    %dma_wait3A_943 = arith.constant 0 : i32
    %dma_wait3A_944 = tpu.memref_slice %arg7[%dma_wait3A_935, %dma_wait3A_942, %dma_wait3A_943] : memref<2x200x128xi32, #tpu.memory_space<vmem>> -> memref<1x200x128xi32, #tpu.memory_space<vmem>>
    %dma_wait3A_945 = tpu.memref_squeeze %dma_wait3A_944 : memref<1x200x128xi32, #tpu.memory_space<vmem>> -> memref<200x128xi32, #tpu.memory_space<vmem>>
    %dma_wait3A_946 = arith.constant 0 : i32
    %dma_wait3A_947 = tpu.memref_slice %arg2[%dma_wait3A_946, %add3A_639] : memref<200x16384xi32, #tpu.memory_space<hbm>> -> memref<200x128xi32, #tpu.memory_space<hbm>>
    tpu.wait_dma2 semaphore(%arg13 : memref<!tpu.dma_semaphore, #tpu.memory_space<semaphore_mem>>) src(%dma_wait3A_947 : memref<200x128xi32, #tpu.memory_space<hbm>>) dst(%dma_wait3A_945 : memref<200x128xi32, #tpu.memory_space<vmem>>)
    %broadcast_in_dim3A_948 = arith.constant 1 : i32
    %broadcast_in_dim3A_949 = vector.broadcast %broadcast_in_dim3A_948 : i32 to vector<16xi32>
    %get3A_950 = arith.constant 384 : index
    %get3A_951 = tpu.vector_load %arg8[%get3A_950] {strides = array<i32>} : memref<512xi32, #tpu.memory_space<vmem>>, vector<16xi32>,
    %get3A_952 = arith.constant 384 : index
    %get3A_953 = tpu.vector_load %arg9[%get3A_952] {strides = array<i32>} : memref<512xi32, #tpu.memory_space<vmem>>, vector<16xi32>,
    %max3A_954 = arith.constant 0 : i32
    %max3A_955 = vector.broadcast %max3A_954 : i32 to vector<16xi32>
    %max3A_956 = arith.maxsi %get3A_951, %max3A_955 : vector<16xi32>
    %min3A_957 = arith.constant 199 : i32
    %min3A_958 = vector.broadcast %min3A_957 : i32 to vector<16xi32>
    %min3A_959 = arith.minsi %max3A_956, %min3A_958 : vector<16xi32>
    %iota3A_960 = tpu.iota {dimensions = array<i32: 0>} : vector<16xi32>
    %add3A_961 = arith.constant 0 : i32
    %add3A_962 = vector.broadcast %add3A_961 : i32 to vector<16xi32>
    %add3A_963 = arith.addi %add3A_962, %iota3A_960 : vector<16xi32>
    %gather3A_964 = tpu.vector_load_idx %arg7[%broadcast_in_dim3A_949, %min3A_959, %add3A_963] : memref<2x200x128xi32, #tpu.memory_space<vmem>>[vector<16xi32>, vector<16xi32>, vector<16xi32>], vector<16xi32>,
    %broadcast_in_dim3A_965 = arith.constant 1 : i32
    %broadcast_in_dim3A_966 = vector.broadcast %broadcast_in_dim3A_965 : i32 to vector<16xi32>
    %broadcast_in_dim3A_967 = arith.constant 0 : i32
    %broadcast_in_dim3A_968 = vector.broadcast %broadcast_in_dim3A_967 : i32 to vector<16xi32>
    %broadcast_in_dim3A_969 = arith.constant -1 : i32
    %broadcast_in_dim3A_970 = vector.broadcast %broadcast_in_dim3A_969 : i32 to vector<16xi32>
    %ge3A_971 = arith.constant 0 : i32
    %ge3A_972 = vector.broadcast %ge3A_971 : i32 to vector<16xi32>
    %ge3A_973 = arith.cmpi sge, %get3A_951, %ge3A_972 : vector<16xi32>
    %lt3A_974 = arith.cmpi slt, %get3A_951, %get3A_953 : vector<16xi32>
    %select_n3A_975 = arith.select %lt3A_974, %broadcast_in_dim3A_966, %broadcast_in_dim3A_968 : vector<16xi1>, vector<16xi32>
    %select_n3A_976 = arith.select %ge3A_973, %select_n3A_975, %broadcast_in_dim3A_968 : vector<16xi1>, vector<16xi32>
    %swap3A_977 = arith.constant 384 : index
    %swap3A_978 = tpu.vector_load %arg11[%swap3A_977] {strides = array<i32>} : memref<512xi32, #tpu.memory_space<vmem>>, vector<16xi32>,
    tpu.vector_store %arg11[%swap3A_977], %select_n3A_976 {strides = array<i32>} : memref<512xi32, #tpu.memory_space<vmem>>, vector<16xi32>,
    %gt3A_979 = arith.constant 0 : i32
    %gt3A_980 = vector.broadcast %gt3A_979 : i32 to vector<16xi32>
    %gt3A_981 = arith.cmpi sgt, %select_n3A_976, %gt3A_980 : vector<16xi32>
    %select_n3A_982 = arith.select %gt3A_981, %gather3A_964, %broadcast_in_dim3A_970 : vector<16xi1>, vector<16xi32>
    %swap3A_983 = arith.constant 384 : index
    %swap3A_984 = tpu.vector_load %arg10[%swap3A_983] {strides = array<i32>} : memref<512xi32, #tpu.memory_space<vmem>>, vector<16xi32>,
    tpu.vector_store %arg10[%swap3A_983], %select_n3A_982 {strides = array<i32>} : memref<512xi32, #tpu.memory_space<vmem>>, vector<16xi32>,
    %get3A_985 = arith.constant 400 : index
    %get3A_986 = tpu.vector_load %arg8[%get3A_985] {strides = array<i32>} : memref<512xi32, #tpu.memory_space<vmem>>, vector<16xi32>,
    %get3A_987 = arith.constant 400 : index
    %get3A_988 = tpu.vector_load %arg9[%get3A_987] {strides = array<i32>} : memref<512xi32, #tpu.memory_space<vmem>>, vector<16xi32>,
    %max3A_989 = arith.constant 0 : i32
    %max3A_990 = vector.broadcast %max3A_989 : i32 to vector<16xi32>
    %max3A_991 = arith.maxsi %get3A_986, %max3A_990 : vector<16xi32>
    %min3A_992 = arith.constant 199 : i32
    %min3A_993 = vector.broadcast %min3A_992 : i32 to vector<16xi32>
    %min3A_994 = arith.minsi %max3A_991, %min3A_993 : vector<16xi32>
    %iota3A_995 = tpu.iota {dimensions = array<i32: 0>} : vector<16xi32>
    %add3A_996 = arith.constant 16 : i32
    %add3A_997 = vector.broadcast %add3A_996 : i32 to vector<16xi32>
    %add3A_998 = arith.addi %add3A_997, %iota3A_995 : vector<16xi32>
    %gather3A_999 = tpu.vector_load_idx %arg7[%broadcast_in_dim3A_949, %min3A_994, %add3A_998] : memref<2x200x128xi32, #tpu.memory_space<vmem>>[vector<16xi32>, vector<16xi32>, vector<16xi32>], vector<16xi32>,
    %broadcast_in_dim3A_1000 = arith.constant 1 : i32
    %broadcast_in_dim3A_1001 = vector.broadcast %broadcast_in_dim3A_1000 : i32 to vector<16xi32>
    %broadcast_in_dim3A_1002 = arith.constant 0 : i32
    %broadcast_in_dim3A_1003 = vector.broadcast %broadcast_in_dim3A_1002 : i32 to vector<16xi32>
    %broadcast_in_dim3A_1004 = arith.constant -1 : i32
    %broadcast_in_dim3A_1005 = vector.broadcast %broadcast_in_dim3A_1004 : i32 to vector<16xi32>
    %ge3A_1006 = arith.constant 0 : i32
    %ge3A_1007 = vector.broadcast %ge3A_1006 : i32 to vector<16xi32>
    %ge3A_1008 = arith.cmpi sge, %get3A_986, %ge3A_1007 : vector<16xi32>
    %lt3A_1009 = arith.cmpi slt, %get3A_986, %get3A_988 : vector<16xi32>
    %select_n3A_1010 = arith.select %lt3A_1009, %broadcast_in_dim3A_1001, %broadcast_in_dim3A_1003 : vector<16xi1>, vector<16xi32>
    %select_n3A_1011 = arith.select %ge3A_1008, %select_n3A_1010, %broadcast_in_dim3A_1003 : vector<16xi1>, vector<16xi32>
    %swap3A_1012 = arith.constant 400 : index
    %swap3A_1013 = tpu.vector_load %arg11[%swap3A_1012] {strides = array<i32>} : memref<512xi32, #tpu.memory_space<vmem>>, vector<16xi32>,
    tpu.vector_store %arg11[%swap3A_1012], %select_n3A_1011 {strides = array<i32>} : memref<512xi32, #tpu.memory_space<vmem>>, vector<16xi32>,
    %gt3A_1014 = arith.constant 0 : i32
    %gt3A_1015 = vector.broadcast %gt3A_1014 : i32 to vector<16xi32>
    %gt3A_1016 = arith.cmpi sgt, %select_n3A_1011, %gt3A_1015 : vector<16xi32>
    %select_n3A_1017 = arith.select %gt3A_1016, %gather3A_999, %broadcast_in_dim3A_1005 : vector<16xi1>, vector<16xi32>
    %swap3A_1018 = arith.constant 400 : index
    %swap3A_1019 = tpu.vector_load %arg10[%swap3A_1018] {strides = array<i32>} : memref<512xi32, #tpu.memory_space<vmem>>, vector<16xi32>,
    tpu.vector_store %arg10[%swap3A_1018], %select_n3A_1017 {strides = array<i32>} : memref<512xi32, #tpu.memory_space<vmem>>, vector<16xi32>,
    %get3A_1020 = arith.constant 416 : index
    %get3A_1021 = tpu.vector_load %arg8[%get3A_1020] {strides = array<i32>} : memref<512xi32, #tpu.memory_space<vmem>>, vector<16xi32>,
    %get3A_1022 = arith.constant 416 : index
    %get3A_1023 = tpu.vector_load %arg9[%get3A_1022] {strides = array<i32>} : memref<512xi32, #tpu.memory_space<vmem>>, vector<16xi32>,
    %max3A_1024 = arith.constant 0 : i32
    %max3A_1025 = vector.broadcast %max3A_1024 : i32 to vector<16xi32>
    %max3A_1026 = arith.maxsi %get3A_1021, %max3A_1025 : vector<16xi32>
    %min3A_1027 = arith.constant 199 : i32
    %min3A_1028 = vector.broadcast %min3A_1027 : i32 to vector<16xi32>
    %min3A_1029 = arith.minsi %max3A_1026, %min3A_1028 : vector<16xi32>
    %iota3A_1030 = tpu.iota {dimensions = array<i32: 0>} : vector<16xi32>
    %add3A_1031 = arith.constant 32 : i32
    %add3A_1032 = vector.broadcast %add3A_1031 : i32 to vector<16xi32>
    %add3A_1033 = arith.addi %add3A_1032, %iota3A_1030 : vector<16xi32>
    %gather3A_1034 = tpu.vector_load_idx %arg7[%broadcast_in_dim3A_949, %min3A_1029, %add3A_1033] : memref<2x200x128xi32, #tpu.memory_space<vmem>>[vector<16xi32>, vector<16xi32>, vector<16xi32>], vector<16xi32>,
    %broadcast_in_dim3A_1035 = arith.constant 1 : i32
    %broadcast_in_dim3A_1036 = vector.broadcast %broadcast_in_dim3A_1035 : i32 to vector<16xi32>
    %broadcast_in_dim3A_1037 = arith.constant 0 : i32
    %broadcast_in_dim3A_1038 = vector.broadcast %broadcast_in_dim3A_1037 : i32 to vector<16xi32>
    %broadcast_in_dim3A_1039 = arith.constant -1 : i32
    %broadcast_in_dim3A_1040 = vector.broadcast %broadcast_in_dim3A_1039 : i32 to vector<16xi32>
    %ge3A_1041 = arith.constant 0 : i32
    %ge3A_1042 = vector.broadcast %ge3A_1041 : i32 to vector<16xi32>
    %ge3A_1043 = arith.cmpi sge, %get3A_1021, %ge3A_1042 : vector<16xi32>
    %lt3A_1044 = arith.cmpi slt, %get3A_1021, %get3A_1023 : vector<16xi32>
    %select_n3A_1045 = arith.select %lt3A_1044, %broadcast_in_dim3A_1036, %broadcast_in_dim3A_1038 : vector<16xi1>, vector<16xi32>
    %select_n3A_1046 = arith.select %ge3A_1043, %select_n3A_1045, %broadcast_in_dim3A_1038 : vector<16xi1>, vector<16xi32>
    %swap3A_1047 = arith.constant 416 : index
    %swap3A_1048 = tpu.vector_load %arg11[%swap3A_1047] {strides = array<i32>} : memref<512xi32, #tpu.memory_space<vmem>>, vector<16xi32>,
    tpu.vector_store %arg11[%swap3A_1047], %select_n3A_1046 {strides = array<i32>} : memref<512xi32, #tpu.memory_space<vmem>>, vector<16xi32>,
    %gt3A_1049 = arith.constant 0 : i32
    %gt3A_1050 = vector.broadcast %gt3A_1049 : i32 to vector<16xi32>
    %gt3A_1051 = arith.cmpi sgt, %select_n3A_1046, %gt3A_1050 : vector<16xi32>
    %select_n3A_1052 = arith.select %gt3A_1051, %gather3A_1034, %broadcast_in_dim3A_1040 : vector<16xi1>, vector<16xi32>
    %swap3A_1053 = arith.constant 416 : index
    %swap3A_1054 = tpu.vector_load %arg10[%swap3A_1053] {strides = array<i32>} : memref<512xi32, #tpu.memory_space<vmem>>, vector<16xi32>,
    tpu.vector_store %arg10[%swap3A_1053], %select_n3A_1052 {strides = array<i32>} : memref<512xi32, #tpu.memory_space<vmem>>, vector<16xi32>,
    %get3A_1055 = arith.constant 432 : index
    %get3A_1056 = tpu.vector_load %arg8[%get3A_1055] {strides = array<i32>} : memref<512xi32, #tpu.memory_space<vmem>>, vector<16xi32>,
    %get3A_1057 = arith.constant 432 : index
    %get3A_1058 = tpu.vector_load %arg9[%get3A_1057] {strides = array<i32>} : memref<512xi32, #tpu.memory_space<vmem>>, vector<16xi32>,
    %max3A_1059 = arith.constant 0 : i32
    %max3A_1060 = vector.broadcast %max3A_1059 : i32 to vector<16xi32>
    %max3A_1061 = arith.maxsi %get3A_1056, %max3A_1060 : vector<16xi32>
    %min3A_1062 = arith.constant 199 : i32
    %min3A_1063 = vector.broadcast %min3A_1062 : i32 to vector<16xi32>
    %min3A_1064 = arith.minsi %max3A_1061, %min3A_1063 : vector<16xi32>
    %iota3A_1065 = tpu.iota {dimensions = array<i32: 0>} : vector<16xi32>
    %add3A_1066 = arith.constant 48 : i32
    %add3A_1067 = vector.broadcast %add3A_1066 : i32 to vector<16xi32>
    %add3A_1068 = arith.addi %add3A_1067, %iota3A_1065 : vector<16xi32>
    %gather3A_1069 = tpu.vector_load_idx %arg7[%broadcast_in_dim3A_949, %min3A_1064, %add3A_1068] : memref<2x200x128xi32, #tpu.memory_space<vmem>>[vector<16xi32>, vector<16xi32>, vector<16xi32>], vector<16xi32>,
    %broadcast_in_dim3A_1070 = arith.constant 1 : i32
    %broadcast_in_dim3A_1071 = vector.broadcast %broadcast_in_dim3A_1070 : i32 to vector<16xi32>
    %broadcast_in_dim3A_1072 = arith.constant 0 : i32
    %broadcast_in_dim3A_1073 = vector.broadcast %broadcast_in_dim3A_1072 : i32 to vector<16xi32>
    %broadcast_in_dim3A_1074 = arith.constant -1 : i32
    %broadcast_in_dim3A_1075 = vector.broadcast %broadcast_in_dim3A_1074 : i32 to vector<16xi32>
    %ge3A_1076 = arith.constant 0 : i32
    %ge3A_1077 = vector.broadcast %ge3A_1076 : i32 to vector<16xi32>
    %ge3A_1078 = arith.cmpi sge, %get3A_1056, %ge3A_1077 : vector<16xi32>
    %lt3A_1079 = arith.cmpi slt, %get3A_1056, %get3A_1058 : vector<16xi32>
    %select_n3A_1080 = arith.select %lt3A_1079, %broadcast_in_dim3A_1071, %broadcast_in_dim3A_1073 : vector<16xi1>, vector<16xi32>
    %select_n3A_1081 = arith.select %ge3A_1078, %select_n3A_1080, %broadcast_in_dim3A_1073 : vector<16xi1>, vector<16xi32>
    %swap3A_1082 = arith.constant 432 : index
    %swap3A_1083 = tpu.vector_load %arg11[%swap3A_1082] {strides = array<i32>} : memref<512xi32, #tpu.memory_space<vmem>>, vector<16xi32>,
    tpu.vector_store %arg11[%swap3A_1082], %select_n3A_1081 {strides = array<i32>} : memref<512xi32, #tpu.memory_space<vmem>>, vector<16xi32>,
    %gt3A_1084 = arith.constant 0 : i32
    %gt3A_1085 = vector.broadcast %gt3A_1084 : i32 to vector<16xi32>
    %gt3A_1086 = arith.cmpi sgt, %select_n3A_1081, %gt3A_1085 : vector<16xi32>
    %select_n3A_1087 = arith.select %gt3A_1086, %gather3A_1069, %broadcast_in_dim3A_1075 : vector<16xi1>, vector<16xi32>
    %swap3A_1088 = arith.constant 432 : index
    %swap3A_1089 = tpu.vector_load %arg10[%swap3A_1088] {strides = array<i32>} : memref<512xi32, #tpu.memory_space<vmem>>, vector<16xi32>,
    tpu.vector_store %arg10[%swap3A_1088], %select_n3A_1087 {strides = array<i32>} : memref<512xi32, #tpu.memory_space<vmem>>, vector<16xi32>,
    %get3A_1090 = arith.constant 448 : index
    %get3A_1091 = tpu.vector_load %arg8[%get3A_1090] {strides = array<i32>} : memref<512xi32, #tpu.memory_space<vmem>>, vector<16xi32>,
    %get3A_1092 = arith.constant 448 : index
    %get3A_1093 = tpu.vector_load %arg9[%get3A_1092] {strides = array<i32>} : memref<512xi32, #tpu.memory_space<vmem>>, vector<16xi32>,
    %max3A_1094 = arith.constant 0 : i32
    %max3A_1095 = vector.broadcast %max3A_1094 : i32 to vector<16xi32>
    %max3A_1096 = arith.maxsi %get3A_1091, %max3A_1095 : vector<16xi32>
    %min3A_1097 = arith.constant 199 : i32
    %min3A_1098 = vector.broadcast %min3A_1097 : i32 to vector<16xi32>
    %min3A_1099 = arith.minsi %max3A_1096, %min3A_1098 : vector<16xi32>
    %iota3A_1100 = tpu.iota {dimensions = array<i32: 0>} : vector<16xi32>
    %add3A_1101 = arith.constant 64 : i32
    %add3A_1102 = vector.broadcast %add3A_1101 : i32 to vector<16xi32>
    %add3A_1103 = arith.addi %add3A_1102, %iota3A_1100 : vector<16xi32>
    %gather3A_1104 = tpu.vector_load_idx %arg7[%broadcast_in_dim3A_949, %min3A_1099, %add3A_1103] : memref<2x200x128xi32, #tpu.memory_space<vmem>>[vector<16xi32>, vector<16xi32>, vector<16xi32>], vector<16xi32>,
    %broadcast_in_dim3A_1105 = arith.constant 1 : i32
    %broadcast_in_dim3A_1106 = vector.broadcast %broadcast_in_dim3A_1105 : i32 to vector<16xi32>
    %broadcast_in_dim3A_1107 = arith.constant 0 : i32
    %broadcast_in_dim3A_1108 = vector.broadcast %broadcast_in_dim3A_1107 : i32 to vector<16xi32>
    %broadcast_in_dim3A_1109 = arith.constant -1 : i32
    %broadcast_in_dim3A_1110 = vector.broadcast %broadcast_in_dim3A_1109 : i32 to vector<16xi32>
    %ge3A_1111 = arith.constant 0 : i32
    %ge3A_1112 = vector.broadcast %ge3A_1111 : i32 to vector<16xi32>
    %ge3A_1113 = arith.cmpi sge, %get3A_1091, %ge3A_1112 : vector<16xi32>
    %lt3A_1114 = arith.cmpi slt, %get3A_1091, %get3A_1093 : vector<16xi32>
    %select_n3A_1115 = arith.select %lt3A_1114, %broadcast_in_dim3A_1106, %broadcast_in_dim3A_1108 : vector<16xi1>, vector<16xi32>
    %select_n3A_1116 = arith.select %ge3A_1113, %select_n3A_1115, %broadcast_in_dim3A_1108 : vector<16xi1>, vector<16xi32>
    %swap3A_1117 = arith.constant 448 : index
    %swap3A_1118 = tpu.vector_load %arg11[%swap3A_1117] {strides = array<i32>} : memref<512xi32, #tpu.memory_space<vmem>>, vector<16xi32>,
    tpu.vector_store %arg11[%swap3A_1117], %select_n3A_1116 {strides = array<i32>} : memref<512xi32, #tpu.memory_space<vmem>>, vector<16xi32>,
    %gt3A_1119 = arith.constant 0 : i32
    %gt3A_1120 = vector.broadcast %gt3A_1119 : i32 to vector<16xi32>
    %gt3A_1121 = arith.cmpi sgt, %select_n3A_1116, %gt3A_1120 : vector<16xi32>
    %select_n3A_1122 = arith.select %gt3A_1121, %gather3A_1104, %broadcast_in_dim3A_1110 : vector<16xi1>, vector<16xi32>
    %swap3A_1123 = arith.constant 448 : index
    %swap3A_1124 = tpu.vector_load %arg10[%swap3A_1123] {strides = array<i32>} : memref<512xi32, #tpu.memory_space<vmem>>, vector<16xi32>,
    tpu.vector_store %arg10[%swap3A_1123], %select_n3A_1122 {strides = array<i32>} : memref<512xi32, #tpu.memory_space<vmem>>, vector<16xi32>,
    %get3A_1125 = arith.constant 464 : index
    %get3A_1126 = tpu.vector_load %arg8[%get3A_1125] {strides = array<i32>} : memref<512xi32, #tpu.memory_space<vmem>>, vector<16xi32>,
    %get3A_1127 = arith.constant 464 : index
    %get3A_1128 = tpu.vector_load %arg9[%get3A_1127] {strides = array<i32>} : memref<512xi32, #tpu.memory_space<vmem>>, vector<16xi32>,
    %max3A_1129 = arith.constant 0 : i32
    %max3A_1130 = vector.broadcast %max3A_1129 : i32 to vector<16xi32>
    %max3A_1131 = arith.maxsi %get3A_1126, %max3A_1130 : vector<16xi32>
    %min3A_1132 = arith.constant 199 : i32
    %min3A_1133 = vector.broadcast %min3A_1132 : i32 to vector<16xi32>
    %min3A_1134 = arith.minsi %max3A_1131, %min3A_1133 : vector<16xi32>
    %iota3A_1135 = tpu.iota {dimensions = array<i32: 0>} : vector<16xi32>
    %add3A_1136 = arith.constant 80 : i32
    %add3A_1137 = vector.broadcast %add3A_1136 : i32 to vector<16xi32>
    %add3A_1138 = arith.addi %add3A_1137, %iota3A_1135 : vector<16xi32>
    %gather3A_1139 = tpu.vector_load_idx %arg7[%broadcast_in_dim3A_949, %min3A_1134, %add3A_1138] : memref<2x200x128xi32, #tpu.memory_space<vmem>>[vector<16xi32>, vector<16xi32>, vector<16xi32>], vector<16xi32>,
    %broadcast_in_dim3A_1140 = arith.constant 1 : i32
    %broadcast_in_dim3A_1141 = vector.broadcast %broadcast_in_dim3A_1140 : i32 to vector<16xi32>
    %broadcast_in_dim3A_1142 = arith.constant 0 : i32
    %broadcast_in_dim3A_1143 = vector.broadcast %broadcast_in_dim3A_1142 : i32 to vector<16xi32>
    %broadcast_in_dim3A_1144 = arith.constant -1 : i32
    %broadcast_in_dim3A_1145 = vector.broadcast %broadcast_in_dim3A_1144 : i32 to vector<16xi32>
    %ge3A_1146 = arith.constant 0 : i32
    %ge3A_1147 = vector.broadcast %ge3A_1146 : i32 to vector<16xi32>
    %ge3A_1148 = arith.cmpi sge, %get3A_1126, %ge3A_1147 : vector<16xi32>
    %lt3A_1149 = arith.cmpi slt, %get3A_1126, %get3A_1128 : vector<16xi32>
    %select_n3A_1150 = arith.select %lt3A_1149, %broadcast_in_dim3A_1141, %broadcast_in_dim3A_1143 : vector<16xi1>, vector<16xi32>
    %select_n3A_1151 = arith.select %ge3A_1148, %select_n3A_1150, %broadcast_in_dim3A_1143 : vector<16xi1>, vector<16xi32>
    %swap3A_1152 = arith.constant 464 : index
    %swap3A_1153 = tpu.vector_load %arg11[%swap3A_1152] {strides = array<i32>} : memref<512xi32, #tpu.memory_space<vmem>>, vector<16xi32>,
    tpu.vector_store %arg11[%swap3A_1152], %select_n3A_1151 {strides = array<i32>} : memref<512xi32, #tpu.memory_space<vmem>>, vector<16xi32>,
    %gt3A_1154 = arith.constant 0 : i32
    %gt3A_1155 = vector.broadcast %gt3A_1154 : i32 to vector<16xi32>
    %gt3A_1156 = arith.cmpi sgt, %select_n3A_1151, %gt3A_1155 : vector<16xi32>
    %select_n3A_1157 = arith.select %gt3A_1156, %gather3A_1139, %broadcast_in_dim3A_1145 : vector<16xi1>, vector<16xi32>
    %swap3A_1158 = arith.constant 464 : index
    %swap3A_1159 = tpu.vector_load %arg10[%swap3A_1158] {strides = array<i32>} : memref<512xi32, #tpu.memory_space<vmem>>, vector<16xi32>,
    tpu.vector_store %arg10[%swap3A_1158], %select_n3A_1157 {strides = array<i32>} : memref<512xi32, #tpu.memory_space<vmem>>, vector<16xi32>,
    %get3A_1160 = arith.constant 480 : index
    %get3A_1161 = tpu.vector_load %arg8[%get3A_1160] {strides = array<i32>} : memref<512xi32, #tpu.memory_space<vmem>>, vector<16xi32>,
    %get3A_1162 = arith.constant 480 : index
    %get3A_1163 = tpu.vector_load %arg9[%get3A_1162] {strides = array<i32>} : memref<512xi32, #tpu.memory_space<vmem>>, vector<16xi32>,
    %max3A_1164 = arith.constant 0 : i32
    %max3A_1165 = vector.broadcast %max3A_1164 : i32 to vector<16xi32>
    %max3A_1166 = arith.maxsi %get3A_1161, %max3A_1165 : vector<16xi32>
    %min3A_1167 = arith.constant 199 : i32
    %min3A_1168 = vector.broadcast %min3A_1167 : i32 to vector<16xi32>
    %min3A_1169 = arith.minsi %max3A_1166, %min3A_1168 : vector<16xi32>
    %iota3A_1170 = tpu.iota {dimensions = array<i32: 0>} : vector<16xi32>
    %add3A_1171 = arith.constant 96 : i32
    %add3A_1172 = vector.broadcast %add3A_1171 : i32 to vector<16xi32>
    %add3A_1173 = arith.addi %add3A_1172, %iota3A_1170 : vector<16xi32>
    %gather3A_1174 = tpu.vector_load_idx %arg7[%broadcast_in_dim3A_949, %min3A_1169, %add3A_1173] : memref<2x200x128xi32, #tpu.memory_space<vmem>>[vector<16xi32>, vector<16xi32>, vector<16xi32>], vector<16xi32>,
    %broadcast_in_dim3A_1175 = arith.constant 1 : i32
    %broadcast_in_dim3A_1176 = vector.broadcast %broadcast_in_dim3A_1175 : i32 to vector<16xi32>
    %broadcast_in_dim3A_1177 = arith.constant 0 : i32
    %broadcast_in_dim3A_1178 = vector.broadcast %broadcast_in_dim3A_1177 : i32 to vector<16xi32>
    %broadcast_in_dim3A_1179 = arith.constant -1 : i32
    %broadcast_in_dim3A_1180 = vector.broadcast %broadcast_in_dim3A_1179 : i32 to vector<16xi32>
    %ge3A_1181 = arith.constant 0 : i32
    %ge3A_1182 = vector.broadcast %ge3A_1181 : i32 to vector<16xi32>
    %ge3A_1183 = arith.cmpi sge, %get3A_1161, %ge3A_1182 : vector<16xi32>
    %lt3A_1184 = arith.cmpi slt, %get3A_1161, %get3A_1163 : vector<16xi32>
    %select_n3A_1185 = arith.select %lt3A_1184, %broadcast_in_dim3A_1176, %broadcast_in_dim3A_1178 : vector<16xi1>, vector<16xi32>
    %select_n3A_1186 = arith.select %ge3A_1183, %select_n3A_1185, %broadcast_in_dim3A_1178 : vector<16xi1>, vector<16xi32>
    %swap3A_1187 = arith.constant 480 : index
    %swap3A_1188 = tpu.vector_load %arg11[%swap3A_1187] {strides = array<i32>} : memref<512xi32, #tpu.memory_space<vmem>>, vector<16xi32>,
    tpu.vector_store %arg11[%swap3A_1187], %select_n3A_1186 {strides = array<i32>} : memref<512xi32, #tpu.memory_space<vmem>>, vector<16xi32>,
    %gt3A_1189 = arith.constant 0 : i32
    %gt3A_1190 = vector.broadcast %gt3A_1189 : i32 to vector<16xi32>
    %gt3A_1191 = arith.cmpi sgt, %select_n3A_1186, %gt3A_1190 : vector<16xi32>
    %select_n3A_1192 = arith.select %gt3A_1191, %gather3A_1174, %broadcast_in_dim3A_1180 : vector<16xi1>, vector<16xi32>
    %swap3A_1193 = arith.constant 480 : index
    %swap3A_1194 = tpu.vector_load %arg10[%swap3A_1193] {strides = array<i32>} : memref<512xi32, #tpu.memory_space<vmem>>, vector<16xi32>,
    tpu.vector_store %arg10[%swap3A_1193], %select_n3A_1192 {strides = array<i32>} : memref<512xi32, #tpu.memory_space<vmem>>, vector<16xi32>,
    %get3A_1195 = arith.constant 496 : index
    %get3A_1196 = tpu.vector_load %arg8[%get3A_1195] {strides = array<i32>} : memref<512xi32, #tpu.memory_space<vmem>>, vector<16xi32>,
    %get3A_1197 = arith.constant 496 : index
    %get3A_1198 = tpu.vector_load %arg9[%get3A_1197] {strides = array<i32>} : memref<512xi32, #tpu.memory_space<vmem>>, vector<16xi32>,
    %max3A_1199 = arith.constant 0 : i32
    %max3A_1200 = vector.broadcast %max3A_1199 : i32 to vector<16xi32>
    %max3A_1201 = arith.maxsi %get3A_1196, %max3A_1200 : vector<16xi32>
    %min3A_1202 = arith.constant 199 : i32
    %min3A_1203 = vector.broadcast %min3A_1202 : i32 to vector<16xi32>
    %min3A_1204 = arith.minsi %max3A_1201, %min3A_1203 : vector<16xi32>
    %iota3A_1205 = tpu.iota {dimensions = array<i32: 0>} : vector<16xi32>
    %add3A_1206 = arith.constant 112 : i32
    %add3A_1207 = vector.broadcast %add3A_1206 : i32 to vector<16xi32>
    %add3A_1208 = arith.addi %add3A_1207, %iota3A_1205 : vector<16xi32>
    %gather3A_1209 = tpu.vector_load_idx %arg7[%broadcast_in_dim3A_949, %min3A_1204, %add3A_1208] : memref<2x200x128xi32, #tpu.memory_space<vmem>>[vector<16xi32>, vector<16xi32>, vector<16xi32>], vector<16xi32>,
    %broadcast_in_dim3A_1210 = arith.constant 1 : i32
    %broadcast_in_dim3A_1211 = vector.broadcast %broadcast_in_dim3A_1210 : i32 to vector<16xi32>
    %broadcast_in_dim3A_1212 = arith.constant 0 : i32
    %broadcast_in_dim3A_1213 = vector.broadcast %broadcast_in_dim3A_1212 : i32 to vector<16xi32>
    %broadcast_in_dim3A_1214 = arith.constant -1 : i32
    %broadcast_in_dim3A_1215 = vector.broadcast %broadcast_in_dim3A_1214 : i32 to vector<16xi32>
    %ge3A_1216 = arith.constant 0 : i32
    %ge3A_1217 = vector.broadcast %ge3A_1216 : i32 to vector<16xi32>
    %ge3A_1218 = arith.cmpi sge, %get3A_1196, %ge3A_1217 : vector<16xi32>
    %lt3A_1219 = arith.cmpi slt, %get3A_1196, %get3A_1198 : vector<16xi32>
    %select_n3A_1220 = arith.select %lt3A_1219, %broadcast_in_dim3A_1211, %broadcast_in_dim3A_1213 : vector<16xi1>, vector<16xi32>
    %select_n3A_1221 = arith.select %ge3A_1218, %select_n3A_1220, %broadcast_in_dim3A_1213 : vector<16xi1>, vector<16xi32>
    %swap3A_1222 = arith.constant 496 : index
    %swap3A_1223 = tpu.vector_load %arg11[%swap3A_1222] {strides = array<i32>} : memref<512xi32, #tpu.memory_space<vmem>>, vector<16xi32>,
    tpu.vector_store %arg11[%swap3A_1222], %select_n3A_1221 {strides = array<i32>} : memref<512xi32, #tpu.memory_space<vmem>>, vector<16xi32>,
    %gt3A_1224 = arith.constant 0 : i32
    %gt3A_1225 = vector.broadcast %gt3A_1224 : i32 to vector<16xi32>
    %gt3A_1226 = arith.cmpi sgt, %select_n3A_1221, %gt3A_1225 : vector<16xi32>
    %select_n3A_1227 = arith.select %gt3A_1226, %gather3A_1209, %broadcast_in_dim3A_1215 : vector<16xi1>, vector<16xi32>
    %swap3A_1228 = arith.constant 496 : index
    %swap3A_1229 = tpu.vector_load %arg10[%swap3A_1228] {strides = array<i32>} : memref<512xi32, #tpu.memory_space<vmem>>, vector<16xi32>,
    tpu.vector_store %arg10[%swap3A_1228], %select_n3A_1227 {strides = array<i32>} : memref<512xi32, #tpu.memory_space<vmem>>, vector<16xi32>,
    "tpu.region"() ({
      %run_scoped3A = tpu.sem_alloc : memref<!tpu.dma_semaphore, #tpu.memory_space<semaphore_mem>>
      %dma_start3A_1230 = tpu.memref_slice %arg5[%mul3A_2] : memref<16384xi32, #tpu.memory_space<hbm>> -> memref<512xi32, #tpu.memory_space<hbm>>
      %dma_start3A_1231 = tpu.memref_slice %arg5[%mul3A_2] : memref<16384xi32, #tpu.memory_space<hbm>> -> memref<512xi32, #tpu.memory_space<hbm>>
      tpu.enqueue_dma source(%arg10 : memref<512xi32, #tpu.memory_space<vmem>>) target(%dma_start3A_1231 : memref<512xi32, #tpu.memory_space<hbm>>) target_semaphore(%run_scoped3A : memref<!tpu.dma_semaphore, #tpu.memory_space<semaphore_mem>>)
      %dma_wait3A_1232 = tpu.memref_slice %arg5[%mul3A_2] : memref<16384xi32, #tpu.memory_space<hbm>> -> memref<512xi32, #tpu.memory_space<hbm>>
      %dma_wait3A_1233 = tpu.memref_slice %arg5[%mul3A_2] : memref<16384xi32, #tpu.memory_space<hbm>> -> memref<512xi32, #tpu.memory_space<hbm>>
      tpu.wait_dma2 semaphore(%run_scoped3A : memref<!tpu.dma_semaphore, #tpu.memory_space<semaphore_mem>>) src(%arg10 : memref<512xi32, #tpu.memory_space<vmem>>) dst(%dma_wait3A_1233 : memref<512xi32, #tpu.memory_space<hbm>>)
      tpu.yield
    }) : () -> ()
    "tpu.region"() ({
      %run_scoped3A = tpu.sem_alloc : memref<!tpu.dma_semaphore, #tpu.memory_space<semaphore_mem>>
      %dma_start3A_1230 = tpu.memref_slice %arg6[%mul3A_2] : memref<16384xi32, #tpu.memory_space<hbm>> -> memref<512xi32, #tpu.memory_space<hbm>>
      %dma_start3A_1231 = tpu.memref_slice %arg6[%mul3A_2] : memref<16384xi32, #tpu.memory_space<hbm>> -> memref<512xi32, #tpu.memory_space<hbm>>
      tpu.enqueue_dma source(%arg11 : memref<512xi32, #tpu.memory_space<vmem>>) target(%dma_start3A_1231 : memref<512xi32, #tpu.memory_space<hbm>>) target_semaphore(%run_scoped3A : memref<!tpu.dma_semaphore, #tpu.memory_space<semaphore_mem>>)
      %dma_wait3A_1232 = tpu.memref_slice %arg6[%mul3A_2] : memref<16384xi32, #tpu.memory_space<hbm>> -> memref<512xi32, #tpu.memory_space<hbm>>
      %dma_wait3A_1233 = tpu.memref_slice %arg6[%mul3A_2] : memref<16384xi32, #tpu.memory_space<hbm>> -> memref<512xi32, #tpu.memory_space<hbm>>
      tpu.wait_dma2 semaphore(%run_scoped3A : memref<!tpu.dma_semaphore, #tpu.memory_space<semaphore_mem>>) src(%arg11 : memref<512xi32, #tpu.memory_space<vmem>>) dst(%dma_wait3A_1233 : memref<512xi32, #tpu.memory_space<hbm>>)
      tpu.yield
    }) : () -> ()
    return
  }
}

</mosaic_0001>

<sc_bundles>
// kernel: kernel.3.cloned.1.call-start
scs
__scs_entry_jumppad:
0x0: {  	(pc) =	sbr.rel $0x88, $3  }
0x1: {  	(tag) =	ssettag $0x0;
	lr =	simm.s32 $0x1  }
0x2: {  	[smem:$0x3F9E] =	sst lr;
	_ =	strace $0xD0000000  }
0x3: {  	_ = 	snop  }
0x4: {  	_ = 	snop  }
0x5: {  	_ = 	snop  }
0x6: {  	_ = 	snop  }
0x7: {  	_ = 	snop  }
__scs_overlays_trampoline_lowered:
0x8: {  	[smem:$0x3FAD] =	sst s0  }
0x9: {  	[smem:$0x3FAE] =	sst s1  }
0xa: {  	[smem:$0x3FAF] =	sst s2  }
0xb: {  	[smem:$0x3FB0] =	sst s3  }
0xc: {  	[smem:$0x3FB1] =	sst s4  }
0xd: {  	[smem:$0x3FB2] =	sst s5  }
0xe: {  	[smem:$0x3FB3] =	sst s6  }
0xf: {  	[smem:$0x3FB4] =	sst s7  }
0x10: {  	[smem:$0x3FB5] =	sst s8  }
0x11: {  	[smem:$0x3FB6] =	sst s9;
	s0 =	simm.s32 @!p0 $0x0  }
0x12: {  	s1 =	sld [smem:$0x3F9C];
	s0 =	simm.s32 @p0 $0x1  }
0x13: {  	[smem:$0x3FB7] =	sst s0;
	s0 =	simm.s32 @!p1 $0x0  }
0x14: {  	s2 =	sld [smem:$0x3F9B];
	s0 =	simm.s32 @p1 $0x1  }
0x15: {  	[smem:$0x3FB8] =	sst s0;
	s0 =	simm.s32 @!p2 $0x0  }
0x16: {  	s3 =	sld [smem:$0x3FDB];
	s0 =	simm.s32 @p2 $0x1  }
0x17: {  	s4 =	simm.s32 $0x1BF5;
	[smem:$0x3FBA] =	sst s0  }
0x18: {  	s0 =	sld [smem:$0x3F9D];
	_ =	swait.ge [sflag:s4], $0x0  }
0x19: {  	s7 =	sld [smem:$0x3F9E]  }
0x1a: {  	s8 =	sadd.s32 $0xFFFFE003, lr  }
0x1b: {  	s9 =	sadd.s32 $0xFFFFFEF7, lr;
	s5 =	simm.s32 $0xFFFFFFFF;
	p2 =	slt.u32 s8, $0xFFFFF086  }
0x1c: {  	p1 =	slt.u32 s9, $0xF7A;
	s5 =	simm.s32 @!p2 $0x0  }
0x1d: {  	s5 =	simm.s32 @p1 $0x1;
	p0 =	seq.s32 s7, s2  }
0x1e: {  	s7 =	smul.u32 @!p0 $0xF7A, s2;
	p2 =	seq.s32 @!p0 s5, $0x0  }
0x1f: {  	s9 =	smul.u32 $0xF7A, s1;
	s8 =	simm.s32 @!p0 $0x1BF5;
	p2 =	por !p2, p0  }
0x20: {  	[sflag:s8] =	ssyncset.s32 @!p0 $0xFFFFF086;
	s6 =	sadd.s32 @!p0 s3, s7;
	s7 =	simm.s32 @!p0 $0x108  }
0x21: {  	s3 =	sadd.s32 s3, s9;
	s6 =	sadd.s32 @!p0 $0x88, s6;
	s7 =	simm.s32 @p2 $0x1082  }
0x22: {  	[simem:s7], [sflag:s8] =	dma.local @!p0 [hbm:s6], $0xF7A  }
0x23: {  	s9 =	sor.u32 $0xD0000000, s2;
	s6 =	simm.s32 $0x108;
	_ =	swait.ge @!p0 [sflag:s8], $0x0  }
0x24: {  	s3 =	sadd.s32 $0x88, s3;
	s6 =	simm.s32 @!p1 $0x1082;
	[sflag:s4] =	ssyncset.s32 $0xFFFFF086  }
0x25: {  	[simem:s6], [sflag:s4] =	dma.local [hbm:s3], $0xF7A  }
0x26: {  	[smem:$0x3F9E] =	sst s1;
	(tag) =	ssettag s2;
	_ =	strace s9  }
0x27: {  	s1 =	sld [smem:$0x3FAE]  }
0x28: {  	s2 =	sld [smem:$0x3FAF]  }
0x29: {  	s4 =	sld [smem:$0x3FB1]  }
0x2a: {  	p0 =	seq.s32 s5, $0x0;
	s5 =	sld [smem:$0x3FB2]  }
0x2b: {  	s6 =	sld [smem:$0x3FB3]  }
0x2c: {  	s7 =	sld [smem:$0x3FB4]  }
0x2d: {  	s3 =	simm.s32 $0x108;
	s8 =	sld [smem:$0x3FB5]  }
0x2e: {  	s3 =	simm.s32 @!p0 $0x1082;
	s9 =	sld [smem:$0x3FB6]  }
0x2f: {  	lr =	sadd.s32 s0, s3;
	s0 =	sld [smem:$0x3FAD]  }
0x30: {  	s3 =	sld [smem:$0x3FB0]  }
0x31: {  	[smem:$0x3FB9] =	sst s10  }
0x32: {  	s10 =	sld [smem:$0x3FB7];
	_ =	sdelay $0x3  }
0x33: {  	p0 =	seq.s32 s10, $0x1;
	s10 =	sld [smem:$0x3FB9];
	_ =	sdelay $0x3  }
0x34: {  	[smem:$0x3FB9] =	sst s10  }
0x35: {  	s10 =	sld [smem:$0x3FB8];
	_ =	sdelay $0x3  }
0x36: {  	p1 =	seq.s32 s10, $0x1;
	s10 =	sld [smem:$0x3FB9];
	_ =	sdelay $0x3  }
0x37: {  	[smem:$0x3FB9] =	sst s10  }
0x38: {  	s10 =	sld [smem:$0x3FBA]  }
0x39: {  	_ = 	snop;
	(pc) =	sbr.ind lr, $3  }
0x3a: {  	_ = 	snop  }
0x3b: {  	_ = 	snop  }
0x3c: {  	p2 =	seq.s32 s10, $0x1;
	s10 =	sld [smem:$0x3FB9]  }
0x3d: {  	_ =	shalt  }
0x3e: {  	_ =	shalt  }
0x3f: {  	_ =	shalt  }
0x40: {  	_ =	shalt  }
0x41: {  	_ =	shalt  }
0x42: {  	_ =	shalt  }
0x43: {  	_ =	shalt  }
0x44: {  	_ =	shalt  }
0x45: {  	_ =	shalt  }
0x46: {  	_ =	shalt  }
0x47: {  	_ =	shalt  }
0x48: {  	_ =	shalt  }
0x49: {  	_ =	shalt  }
0x4a: {  	_ =	shalt  }
0x4b: {  	_ =	shalt  }
0x4c: {  	_ =	shalt  }
0x4d: {  	_ =	shalt  }
0x4e: {  	_ =	shalt  }
0x4f: {  	_ =	shalt  }
0x50: {  	_ =	shalt  }
0x51: {  	_ =	shalt  }
0x52: {  	_ =	shalt  }
0x53: {  	_ =	shalt  }
0x54: {  	_ =	shalt  }
0x55: {  	_ =	shalt  }
0x56: {  	_ =	shalt  }
0x57: {  	_ =	shalt  }
0x58: {  	_ =	shalt  }
0x59: {  	_ =	shalt  }
0x5a: {  	_ =	shalt  }
0x5b: {  	_ =	shalt  }
0x5c: {  	_ =	shalt  }
0x5d: {  	_ =	shalt  }
0x5e: {  	_ =	shalt  }
0x5f: {  	_ =	shalt  }
0x60: {  	_ =	shalt  }
0x61: {  	_ =	shalt  }
0x62: {  	_ =	shalt  }
0x63: {  	_ =	shalt  }
0x64: {  	_ =	shalt  }
0x65: {  	_ =	shalt  }
0x66: {  	_ =	shalt  }
0x67: {  	_ =	shalt  }
0x68: {  	_ =	shalt  }
0x69: {  	_ =	shalt  }
0x6a: {  	_ =	shalt  }
0x6b: {  	_ =	shalt  }
0x6c: {  	_ =	shalt  }
0x6d: {  	_ =	shalt  }
0x6e: {  	_ =	shalt  }
0x6f: {  	_ =	shalt  }
0x70: {  	_ =	shalt  }
0x71: {  	_ =	shalt  }
0x72: {  	_ =	shalt  }
0x73: {  	_ =	shalt  }
0x74: {  	_ =	shalt  }
0x75: {  	_ =	shalt  }
0x76: {  	_ =	shalt  }
0x77: {  	_ =	shalt  }
0x78: {  	_ =	shalt  }
0x79: {  	_ =	shalt  }
0x7a: {  	_ =	shalt  }
0x7b: {  	_ =	shalt  }
0x7c: {  	_ =	shalt  }
0x7d: {  	_ =	shalt  }
0x7e: {  	_ =	shalt  }
0x7f: {  	_ =	shalt  }
0x80: {  	_ =	shalt  }
0x81: {  	_ =	shalt  }
0x82: {  	_ =	shalt  }
0x83: {  	_ =	shalt  }
0x84: {  	_ =	shalt  }
0x85: {  	_ =	shalt  }
0x86: {  	_ =	shalt  }
0x87: {  	_ =	shalt  }
.Lfunc_end0:
.L_simem_size_0:
called_computation_lowered:
.L_overlay_start_0:
0x88: {  	s2 =	sld [smem:$0x3FD9]  }
0x89: {  	s3 =	sld [smem:$0x3FFE];
	_ =	sdelay $0x1  }
0x8a: {  	s1 =	srdreg.scid  }
0x8b: {  	s0 =	sand.u32 $0x1, s1  }
0x8c: {  	s14 =	sshll.u32 s0, $0xA;
	s2 =	sadd.s32 s3, s2  }
0x8d: {  	s2 =	sadd.s32 s2, s14  }
0x8e: {  	[smem:$0x3FC5] =	sst s2  }
0x8f: {  	_ = 	snop  }
0x90: {  	s2 =	sld [smem:$0x3FD0];
	_ =	sdelay $0x2  }
0x91: {  	s15 =	simm.s32 $0xA;
	s4 =	simm.s32 $0x10  }
0x92: {  	[smem:s4], [sflag:s15] =	dma.local [hbm:s2], $0x1  }
0x93: {  	_ =	swait.eq [sflag:s15], $0x1  }
0x94: {  	[sflag:s15] =	ssyncset.done $0x0  }
0x95: {  	[sflag:s15] =	ssyncadd.s32 $0xFFFFFFFF  }
0x96: {  	s16 =	sld [smem:$0x10];
	(tm) =	ssettm $0x1  }
0x97: {  	s17 =	sld [smem:$0x3FFB];
	_ =	sdelay $0x3  }
0x98: {  	_ =	strace s17  }
0x99: {  	s3 =	sld [smem:$0x3FFC];
	_ =	sdelay $0x3  }
0x9a: {  	_ =	strace s3  }
0x9b: {  	s3 =	sld [smem:$0x3FFD];
	_ =	sdelay $0x3  }
0x9c: {  	_ =	strace s3  }
0x9d: {  	_ =	strace $0x8FFFFFFF  }
0x9e: {  	s18 =	sld [smem:$0x3FDB];
	_ =	sdelay $0x1  }
0x9f: {  	s19 =	simm.s32 $_scs_section_size  }
0xa0: {  	s5 =	simm.s32 $_size__tile_overlayer_lowered;
	s6 =	simm.s32 $_tile_overlayer_lowered  }
0xa1: {  	s22 =	simm.s32 $0x1BFF;
	s21 =	sshll.u32 s6, $0x1;
	s3 =	sadd.s32 s19, s18  }
0xa2: {  	s7 =	simm.s32 $0x0;
	s20 =	sshll.u32 s5, $0x1;
	s5 =	sadd.s32 s21, s3  }
0xa3: {  	[timem:s7], [sflag:s22] =	dma.local [hbm:s5], s20  }
0xa4: {  	_ =	swait.ge [sflag:s22], s20  }
0xa5: {  	s4 =	ssub.s32 $0x0, s20;
	[sflag:s22] =	ssyncset.done $0x0  }
0xa6: {  	[sflag:s22] =	ssyncadd.s32 s4;
	_ =	sdelay $0x1  }
0xa7: {  	s23 =	simm.s32 $0x1B8B  }
0xa8: {  	_ =	swait.ge [sflag:s23], $0x1  }
0xa9: {  	[sflag:s23] =	ssyncset.done $0x0  }
0xaa: {  	s25 =	simm.s32 $0x1B8E;
	s24 =	sld [smem:$0x3FFE];
	[sflag:s23] =	ssyncadd.s32 $0xFFFFFFFF  }
0xab: {  	s26 =	simm.s32 $execute0_lowered;
	[smem:$0x3FD2] =	sst s25  }
0xac: {  	s5 =	sshll.u32 s26, $0x1;
	_ =	strace $0x80000046;
	[dreg:$0x1] =	wrdreg $0xFFFFFFFF  }
0xad: {  	s28 =	simm.s32 $_size_execute0_lowered;
	s3 =	sadd.s32 s3, s5;
	[dreg:$0x0] =	wrdreg $0x0  }
0xae: {  	s5 =	sshll.u32 s28, $0x1;
	[dreg:$0x2] =	wrdreg s3  }
0xaf: {  	[dreg:$0x3] =	wrdreg s5  }
0xb0: {  	[dreg:$0x4] =	wrdreg $0xC0  }
0xb1: {  	_ =	task [dreg:s7], $0x5FFFF  }
0xb2: {  	[dreg:$0x1] =	wrdreg $0xFFFFFFFF  }
0xb3: {  	[dreg:$0x0] =	wrdreg $0x60  }
0xb4: {  	[dreg:$0x2] =	wrdreg s24  }
0xb5: {  	[dreg:$0x3] =	wrdreg s16  }
0xb6: {  	[dreg:$0x4] =	wrdreg $0x9  }
0xb7: {  	_ =	task.clear_ibuf [dreg:s7], $0x5FFFF;
	_ =	strace $0x90000046  }
0xb8: {  	s29 =	simm.s32 $0x9;
	_ =	strace $0x80000048  }
0xb9: {  	_ =	swait.ge [sflag:s29], $0x1  }
0xba: {  	[sflag:s29] =	ssyncadd.s32 $0xFFFFFFFF  }
0xbb: {  	_ =	strace $0x90000048  }
0xbc: {  	_ =	sfence  }
0xbd: {  	s30 =	sld [smem:$0x0];
	_ =	sdelay $0x2  }
0xbe: {  	s31 =	sshll.u32 s1, $0xD;
	s1 =	sshrl.u32 s1, $0x2  }
0xbf: {  	s3 =	sand.u32 $0x4000, s31;
	s1 =	sadd.s32 s1, s30  }
0xc0: {  	s0 =	sor.u32 s3, s0;
	s1 =	sshll.u32 s1, $0x11  }
0xc1: {  	s0 =	sor.u32 s1, s0  }
0xc2: {  	s0 =	sadd.s32 $0x8F2B, s0  }
0xc3: {  	[sflag:s0] =	ssyncadd.remote.s32 $0x1  }
0xc4: {  	_ =	sfence.sel $0xFFFF  }
0xc5: {  	[dreg:$0x0] =	wrdreg $0xFFFFFFFF;
	(pc) =	sbr.abs _section_cstart, $3  }
0xc6: {  	[dreg:$0x1] =	wrdreg $0xFFFFFFFF  }
0xc7: {  	_ =	task.clear_ibuf [dreg:s7], $0x2FFFF;
	_ =	strace $0x9FFFFFFF  }
0xc8: {  	(tm) =	ssettm $0x7FFFFFFF  }
0xc9: {  	_ =	shalt  }
tec
execute0_lowered:
.L_overlay_start_1:
0x0: {  	(tag) =	ssettag $0x1  }
0x1: {  	s3 =	rddreg [dreg:$0x0]  }
0x2: {  	s4 =	rddreg [dreg:$0x1]  }
0x3: {  	s0 =	rddreg [dreg:$0x2];
	s5 =	srdreg.scid  }
0x4: {  	s2 =	simm.s32 $0x0;
	s1 =	stileid.u32;
	s12 =	simm.s32 $0x400  }
0x5: {  	s13 =	simm.s32 $0x20000;
	s14 =	simm.s32 $0xC800;
	s15 =	simm.s32 $0x3  }
0x6: {  	s16 =	simm.s32 $0xCA00;
	s17 =	simm.s32 $0x1;
	s18 =	simm.s32 $0x6400  }
0x7: {  	s19 =	simm.s32 $0x2;
	s20 =	simm.s32 $0xCC00;
	s5 =	sand.u32 $0x1, s5  }
0x8: {  	s21 =	simm.s32 $0xCE00;
	s6 =	sshll.u32 s1, $0xA;
	s7 =	sshll.u32 s5, $0x9  }
0x9: {  	v0 =	vlaneseq.u32;
	v1 =	vimm.s32 $0x0;
	[smem:$0x7FF] =	sst s2;
	s5 =	ssub.s32 $0x2, s5;
	s6 =	sor.u32 s7, s6  }
0xa: {  	v2 =	vor.u32 $0x10, v0;
	v3 =	vor.u32 $0x20, v0;
	v4 =	vor.u32 $0x30, v0;
	s31 =	sshrl.u32 s5, $0x1;
	s8 =	sadd.s32 s6, s3;
	s6 =	sshrl.u32 s6, $0x3  }
0xb: {  	v5 =	vor.u32 $0x40, v0;
	v6 =	vor.u32 $0x50, v0;
	v7 =	vor.u32 $0x60, v0;
	_ =	strace $0x80000047;
	s11 =	ssub.s32 s5, s31;
	s10 =	sadd.s32 s6, s3  }
0xc: {  	v8 =	vor.u32 $0x70, v0;
	v9 =	vor.u32 $0x6400, v0;
	v10 =	vor.u32 $0x6410, v0;
	s3 =	sadd.s32 $0x1200, s8;
	s4 =	sadd.s32 s4, s6;
	s6 =	sadd.s32 $0x1280, s8  }
0xd: {  	v11 =	vor.u32 $0x6420, v0;
	v12 =	vor.u32 $0x6430, v0;
	v13 =	vor.u32 $0x6440, v0;
	s7 =	sadd.s32 $0x1300, s8;
	s8 =	sadd.s32 $0x1380, s8;
	s11 =	smax.u32 s11, $0x1  }
0xe: {  	v14 =	vor.u32 $0x6450, v0;
	v15 =	vor.u32 $0x6460, v0;
	v16 =	vor.u32 $0x6470, v0;
	s5 =	sadd.s32 $0xA00, s10;
	s9 =	sadd.s32 $0x65A00, s10;
	s10 =	sadd.s32 $0x65200, s10  }
.LBB2_1:
0xf: {  	[tilespmem:s2], [sflag:$0x1] =	stream.strided.gather [hbm4b:s3+s12], $0x6400, s13, s12, $0x38;
	[tilespmem:$0xD000] =	vst v63  }
0x10: {  	_ = 	snop  }
0x11: {  	[tilespmem:s14], [sflag:$0x3] =	stream.linear.gather [hbm4b:s4+s2], $0x200, $0x38;
	[tilespmem:$0xD000] =	vst v63  }
0x12: {  	_ =	swait.ge [sflag:s15], $0x200  }
0x13: {  	[sflag:s15] =	ssyncset.done $0x0  }
0x14: {  	[sflag:s15] =	ssyncadd.s32 $0xFFFFFE00  }
0x15: {  	[tilespmem:s16], [sflag:$0x3] =	stream.linear.gather [hbm4b:s5+s2], $0x200, $0x38;
	[tilespmem:$0xD000] =	vst v63  }
0x16: {  	_ =	swait.ge [sflag:s15], $0x200  }
0x17: {  	[sflag:s15] =	ssyncset.done $0x0  }
0x18: {  	[sflag:s15] =	ssyncadd.s32 $0xFFFFFE00  }
0x19: {  	_ =	swait.ge [sflag:s17], $0x6400  }
0x1a: {  	[sflag:s17] =	ssyncset.done $0x0  }
0x1b: {  	[sflag:s17] =	ssyncadd.s32 $0xFFFF9C00  }
0x1c: {  	[tilespmem:s18], [sflag:$0x2] =	stream.strided.gather [hbm4b:s6+s12], $0x6400, s13, s12, $0x38;
	[tilespmem:$0xD000] =	vst v63  }
0x1d: {  	v17 =	vld [tilespmem:$0xC800];
	_ =	sdelay $0x4  }
0x1e: {  	vm0 =	vgt.s32 v17, $0x0  }
0x1f: {  	v18 =	vnsel vm0, $0x0, v17  }
0x20: {  	v19 =	vld [tilespmem:$0xC810];
	v18 =	vmin.u32 v18, $0xC7  }
0x21: {  	v18 =	vshll.u32 v18, $0x7  }
0x22: {  	v18 =	vor.u32 v0, v18;
	_ =	sdelay $0x1  }
0x23: {  	v20 =	vld [tilespmem:$0xCA00]  }
0x24: {  	vm6 =	vgt.s32 v19, $0x0  }
0x25: {  	v22 =	vld [tilespmem:$0xC820];
	v21 =	vnsel vm6, $0x0, v19  }
0x26: {  	v21 =	vmin.u32 v21, $0xC7;
	v18 =	vld.idx.msk [tilespmem:v18+s2+$0x0], $0xffff  }
0x27: {  	v21 =	vshll.u32 v21, $0x7  }
0x28: {  	vm7 =	vlt.s32 v17, v20;
	vm1 =	vgt.s32 v17, $0xFFFFFFFF;
	v17 =	vor.u32 v2, v21  }
0x29: {  	vm0 =	vmand vm1, vm7  }
0x2a: {  	v44 =	vld [tilespmem:$0xCA10];
	v43 =	vsel vm0, $0x1, v1  }
0x2b: {  	vm8 =	vgt.s32 v22, $0x0;
	[tilespmem:$0xCE00] =	vst v43;
	v18 =	vnsel vm0, $0xFFFFFFFF, v18  }
0x2c: {  	v45 =	vld [tilespmem:$0xC830];
	[tilespmem:$0xCC00] =	vst v18;
	v18 =	vnsel vm8, $0x0, v22  }
0x2d: {  	v17 =	vld.idx.msk [tilespmem:v17+s2+$0x0], $0xffff;
	v18 =	vmin.u32 v18, $0xC7  }
0x2e: {  	v18 =	vshll.u32 v18, $0x7  }
0x2f: {  	vm9 =	vlt.s32 v19, v44;
	vm10 =	vgt.s32 v19, $0xFFFFFFFF;
	v18 =	vor.u32 v3, v18  }
0x30: {  	vm0 =	vmand vm10, vm9  }
0x31: {  	v46 =	vld [tilespmem:$0xCA20];
	v19 =	vsel vm0, $0x1, v1  }
0x32: {  	vm11 =	vgt.s32 v45, $0x0;
	[tilespmem:$0xCE10] =	vst v19;
	v17 =	vnsel vm0, $0xFFFFFFFF, v17  }
0x33: {  	v19 =	vld [tilespmem:$0xC840];
	[tilespmem:$0xCC10] =	vst v17;
	v17 =	vnsel vm11, $0x0, v45  }
0x34: {  	v18 =	vld.idx.msk [tilespmem:v18+s2+$0x0], $0xffff;
	v17 =	vmin.u32 v17, $0xC7  }
0x35: {  	v17 =	vshll.u32 v17, $0x7  }
0x36: {  	vm12 =	vlt.s32 v22, v46;
	vm13 =	vgt.s32 v22, $0xFFFFFFFF;
	v17 =	vor.u32 v4, v17  }
0x37: {  	vm0 =	vmand vm13, vm12  }
0x38: {  	v48 =	vld [tilespmem:$0xCA30];
	v47 =	vsel vm0, $0x1, v1  }
0x39: {  	vm14 =	vgt.s32 v19, $0x0;
	[tilespmem:$0xCE20] =	vst v47;
	v18 =	vnsel vm0, $0xFFFFFFFF, v18  }
0x3a: {  	v49 =	vld [tilespmem:$0xC850];
	[tilespmem:$0xCC20] =	vst v18;
	v18 =	vnsel vm14, $0x0, v19  }
0x3b: {  	v17 =	vld.idx.msk [tilespmem:v17+s2+$0x0], $0xffff;
	v18 =	vmin.u32 v18, $0xC7  }
0x3c: {  	v18 =	vshll.u32 v18, $0x7  }
0x3d: {  	vm15 =	vlt.s32 v45, v48;
	vm4 =	vgt.s32 v45, $0xFFFFFFFF;
	v18 =	vor.u32 v5, v18  }
0x3e: {  	v51 =	vld [tilespmem:$0xCA40];
	vm0 =	vmand vm4, vm15  }
0x3f: {  	v50 =	vsel vm0, $0x1, v1  }
0x40: {  	vm5 =	vgt.s32 v49, $0x0;
	[tilespmem:$0xCE30] =	vst v50;
	v17 =	vnsel vm0, $0xFFFFFFFF, v17  }
0x41: {  	v52 =	vld [tilespmem:$0xC860];
	[tilespmem:$0xCC30] =	vst v17;
	v17 =	vnsel vm5, $0x0, v49  }
0x42: {  	v18 =	vld.idx.msk [tilespmem:v18+s2+$0x0], $0xffff;
	v17 =	vmin.u32 v17, $0xC7  }
0x43: {  	vm6 =	vlt.s32 v19, v51;
	vm7 =	vgt.s32 v19, $0xFFFFFFFF;
	v17 =	vshll.u32 v17, $0x7  }
0x44: {  	vm0 =	vmand vm7, vm6;
	v17 =	vor.u32 v6, v17  }
0x45: {  	v19 =	vsel vm0, $0x1, v1  }
0x46: {  	[tilespmem:$0xCE40] =	vst v19;
	v19 =	vld [tilespmem:$0xCA50]  }
0x47: {  	vm8 =	vgt.s32 v52, $0x0;
	v18 =	vnsel vm0, $0xFFFFFFFF, v18  }
0x48: {  	v53 =	vld [tilespmem:$0xC870];
	[tilespmem:$0xCC40] =	vst v18;
	v18 =	vnsel vm8, $0x0, v52  }
0x49: {  	v17 =	vld.idx.msk [tilespmem:v17+s2+$0x0], $0xffff;
	v18 =	vmin.u32 v18, $0xC7  }
0x4a: {  	v18 =	vshll.u32 v18, $0x7  }
0x4b: {  	vm10 =	vgt.s32 v49, $0xFFFFFFFF;
	vm9 =	vlt.s32 v49, v19;
	v18 =	vor.u32 v7, v18  }
0x4c: {  	vm0 =	vmand vm10, vm9  }
0x4d: {  	v54 =	vld [tilespmem:$0xCA60];
	v19 =	vsel vm0, $0x1, v1  }
0x4e: {  	vm11 =	vgt.s32 v53, $0x0;
	[tilespmem:$0xCE50] =	vst v19;
	v17 =	vnsel vm0, $0xFFFFFFFF, v17  }
0x4f: {  	[tilespmem:$0xCC50] =	vst v17;
	v17 =	vnsel vm11, $0x0, v53  }
0x50: {  	v18 =	vld.idx.msk [tilespmem:v18+s2+$0x0], $0xffff;
	v17 =	vmin.u32 v17, $0xC7  }
0x51: {  	v17 =	vshll.u32 v17, $0x7  }
0x52: {  	vm12 =	vlt.s32 v52, v54;
	vm13 =	vgt.s32 v52, $0xFFFFFFFF;
	v17 =	vor.u32 v8, v17  }
0x53: {  	vm0 =	vmand vm13, vm12  }
0x54: {  	v55 =	vld [tilespmem:$0xCA70];
	v19 =	vsel vm0, $0x1, v1  }
0x55: {  	[tilespmem:$0xCE60] =	vst v19;
	v18 =	vnsel vm0, $0xFFFFFFFF, v18  }
0x56: {  	[tilespmem:$0xCC60] =	vst v18  }
0x57: {  	v17 =	vld.idx.msk [tilespmem:v17+s2+$0x0], $0xffff;
	_ =	sdelay $0x1  }
0x58: {  	vm15 =	vgt.s32 v53, $0xFFFFFFFF;
	vm14 =	vlt.s32 v53, v55  }
0x59: {  	vm0 =	vmand vm15, vm14  }
0x5a: {  	v18 =	vsel vm0, $0x1, v1  }
0x5b: {  	[tilespmem:$0xCE70] =	vst v18;
	v17 =	vnsel vm0, $0xFFFFFFFF, v17  }
0x5c: {  	[tilespmem:$0xCC70] =	vst v17  }
0x5d: {  	_ =	swait.ge [sflag:s19], $0x6400  }
0x5e: {  	[sflag:s19] =	ssyncset.done $0x0  }
0x5f: {  	[sflag:s19] =	ssyncadd.s32 $0xFFFF9C00  }
0x60: {  	[tilespmem:s2], [sflag:$0x1] =	stream.strided.gather [hbm4b:s7+s12], $0x6400, s13, s12, $0x38;
	[tilespmem:$0xD000] =	vst v63  }
0x61: {  	v17 =	vld [tilespmem:$0xC880];
	_ =	sdelay $0x4  }
0x62: {  	vm4 =	vgt.s32 v17, $0x0  }
0x63: {  	v18 =	vnsel vm4, $0x0, v17  }
0x64: {  	v19 =	vld [tilespmem:$0xC890];
	v18 =	vmin.u32 v18, $0xC7  }
0x65: {  	v18 =	vshll.u32 v18, $0x7  }
0x66: {  	v18 =	vadd.s32 v9, v18;
	_ =	sdelay $0x1  }
0x67: {  	v56 =	vld [tilespmem:$0xCA80]  }
0x68: {  	vm5 =	vgt.s32 v19, $0x0  }
0x69: {  	v58 =	vld [tilespmem:$0xC8A0];
	v57 =	vnsel vm5, $0x0, v19  }
0x6a: {  	v21 =	vmin.u32 v57, $0xC7;
	v18 =	vld.idx.msk [tilespmem:v18+s2+$0x0], $0xffff  }
0x6b: {  	v21 =	vshll.u32 v21, $0x7  }
0x6c: {  	vm6 =	vlt.s32 v17, v56;
	vm7 =	vgt.s32 v17, $0xFFFFFFFF;
	v17 =	vadd.s32 v10, v21  }
0x6d: {  	vm0 =	vmand vm7, vm6  }
0x6e: {  	v60 =	vld [tilespmem:$0xCA90];
	v59 =	vsel vm0, $0x1, v1  }
0x6f: {  	vm8 =	vgt.s32 v58, $0x0;
	[tilespmem:$0xCE80] =	vst v59;
	v18 =	vnsel vm0, $0xFFFFFFFF, v18  }
0x70: {  	v61 =	vld [tilespmem:$0xC8B0];
	[tilespmem:$0xCC80] =	vst v18;
	v18 =	vnsel vm8, $0x0, v58  }
0x71: {  	v17 =	vld.idx.msk [tilespmem:v17+s2+$0x0], $0xffff;
	v18 =	vmin.u32 v18, $0xC7  }
0x72: {  	v18 =	vshll.u32 v18, $0x7  }
0x73: {  	vm9 =	vlt.s32 v19, v60;
	vm10 =	vgt.s32 v19, $0xFFFFFFFF;
	v18 =	vadd.s32 v11, v18  }
0x74: {  	vm0 =	vmand vm10, vm9  }
0x75: {  	v62 =	vld [tilespmem:$0xCAA0];
	v19 =	vsel vm0, $0x1, v1  }
0x76: {  	vm11 =	vgt.s32 v61, $0x0;
	[tilespmem:$0xCE90] =	vst v19;
	v17 =	vnsel vm0, $0xFFFFFFFF, v17  }
0x77: {  	v19 =	vld [tilespmem:$0xC8C0];
	[tilespmem:$0xCC90] =	vst v17;
	v17 =	vnsel vm11, $0x0, v61  }
0x78: {  	v18 =	vld.idx.msk [tilespmem:v18+s2+$0x0], $0xffff;
	v17 =	vmin.u32 v17, $0xC7  }
0x79: {  	v17 =	vshll.u32 v17, $0x7  }
0x7a: {  	vm12 =	vlt.s32 v58, v62;
	vm13 =	vgt.s32 v58, $0xFFFFFFFF;
	v17 =	vadd.s32 v12, v17  }
0x7b: {  	vm0 =	vmand vm13, vm12  }
0x7c: {  	v24 =	vld [tilespmem:$0xCAB0];
	v63 =	vsel vm0, $0x1, v1  }
0x7d: {  	vm14 =	vgt.s32 v19, $0x0;
	[tilespmem:$0xCEA0] =	vst v63;
	v18 =	vnsel vm0, $0xFFFFFFFF, v18  }
0x7e: {  	v25 =	vld [tilespmem:$0xC8D0];
	[tilespmem:$0xCCA0] =	vst v18;
	v18 =	vnsel vm14, $0x0, v19  }
0x7f: {  	v17 =	vld.idx.msk [tilespmem:v17+s2+$0x0], $0xffff;
	v18 =	vmin.u32 v18, $0xC7  }
0x80: {  	v18 =	vshll.u32 v18, $0x7  }
0x81: {  	vm15 =	vlt.s32 v61, v24;
	vm4 =	vgt.s32 v61, $0xFFFFFFFF;
	v18 =	vadd.s32 v13, v18  }
0x82: {  	v27 =	vld [tilespmem:$0xCAC0];
	vm0 =	vmand vm4, vm15  }
0x83: {  	v26 =	vsel vm0, $0x1, v1  }
0x84: {  	vm5 =	vgt.s32 v25, $0x0;
	[tilespmem:$0xCEB0] =	vst v26;
	v17 =	vnsel vm0, $0xFFFFFFFF, v17  }
0x85: {  	v28 =	vld [tilespmem:$0xC8E0];
	[tilespmem:$0xCCB0] =	vst v17;
	v17 =	vnsel vm5, $0x0, v25  }
0x86: {  	v18 =	vld.idx.msk [tilespmem:v18+s2+$0x0], $0xffff;
	v17 =	vmin.u32 v17, $0xC7  }
0x87: {  	vm6 =	vlt.s32 v19, v27;
	vm7 =	vgt.s32 v19, $0xFFFFFFFF;
	v17 =	vshll.u32 v17, $0x7  }
0x88: {  	vm0 =	vmand vm7, vm6;
	v17 =	vadd.s32 v14, v17  }
0x89: {  	v19 =	vsel vm0, $0x1, v1  }
0x8a: {  	[tilespmem:$0xCEC0] =	vst v19;
	v19 =	vld [tilespmem:$0xCAD0]  }
0x8b: {  	vm8 =	vgt.s32 v28, $0x0;
	v18 =	vnsel vm0, $0xFFFFFFFF, v18  }
0x8c: {  	v29 =	vld [tilespmem:$0xC8F0];
	[tilespmem:$0xCCC0] =	vst v18;
	v18 =	vnsel vm8, $0x0, v28  }
0x8d: {  	v17 =	vld.idx.msk [tilespmem:v17+s2+$0x0], $0xffff;
	v18 =	vmin.u32 v18, $0xC7  }
0x8e: {  	v18 =	vshll.u32 v18, $0x7  }
0x8f: {  	vm10 =	vgt.s32 v25, $0xFFFFFFFF;
	vm9 =	vlt.s32 v25, v19;
	v18 =	vadd.s32 v15, v18  }
0x90: {  	vm0 =	vmand vm10, vm9  }
0x91: {  	v30 =	vld [tilespmem:$0xCAE0];
	v19 =	vsel vm0, $0x1, v1  }
0x92: {  	vm11 =	vgt.s32 v29, $0x0;
	[tilespmem:$0xCED0] =	vst v19;
	v17 =	vnsel vm0, $0xFFFFFFFF, v17  }
0x93: {  	[tilespmem:$0xCCD0] =	vst v17;
	v17 =	vnsel vm11, $0x0, v29  }
0x94: {  	v18 =	vld.idx.msk [tilespmem:v18+s2+$0x0], $0xffff;
	v17 =	vmin.u32 v17, $0xC7  }
0x95: {  	v17 =	vshll.u32 v17, $0x7  }
0x96: {  	vm12 =	vlt.s32 v28, v30;
	vm13 =	vgt.s32 v28, $0xFFFFFFFF;
	v17 =	vadd.s32 v16, v17  }
0x97: {  	vm0 =	vmand vm13, vm12  }
0x98: {  	v31 =	vld [tilespmem:$0xCAF0];
	v19 =	vsel vm0, $0x1, v1  }
0x99: {  	[tilespmem:$0xCEE0] =	vst v19;
	v18 =	vnsel vm0, $0xFFFFFFFF, v18  }
0x9a: {  	[tilespmem:$0xCCE0] =	vst v18  }
0x9b: {  	v17 =	vld.idx.msk [tilespmem:v17+s2+$0x0], $0xffff;
	_ =	sdelay $0x1  }
0x9c: {  	vm15 =	vgt.s32 v29, $0xFFFFFFFF;
	vm14 =	vlt.s32 v29, v31  }
0x9d: {  	vm0 =	vmand vm15, vm14  }
0x9e: {  	v18 =	vsel vm0, $0x1, v1  }
0x9f: {  	[tilespmem:$0xCEF0] =	vst v18;
	v17 =	vnsel vm0, $0xFFFFFFFF, v17  }
0xa0: {  	[tilespmem:$0xCCF0] =	vst v17  }
0xa1: {  	_ =	swait.ge [sflag:s17], $0x6400  }
0xa2: {  	[sflag:s17] =	ssyncset.done $0x0  }
0xa3: {  	[sflag:s17] =	ssyncadd.s32 $0xFFFF9C00  }
0xa4: {  	[tilespmem:s18], [sflag:$0x2] =	stream.strided.gather [hbm4b:s8+s12], $0x6400, s13, s12, $0x38;
	[tilespmem:$0xD000] =	vst v63  }
0xa5: {  	v17 =	vld [tilespmem:$0xC900];
	_ =	sdelay $0x4  }
0xa6: {  	vm4 =	vgt.s32 v17, $0x0  }
0xa7: {  	v18 =	vnsel vm4, $0x0, v17  }
0xa8: {  	v19 =	vld [tilespmem:$0xC910];
	v18 =	vmin.u32 v18, $0xC7  }
0xa9: {  	v18 =	vshll.u32 v18, $0x7  }
0xaa: {  	v18 =	vor.u32 v0, v18;
	_ =	sdelay $0x1  }
0xab: {  	v32 =	vld [tilespmem:$0xCB00]  }
0xac: {  	vm5 =	vgt.s32 v19, $0x0  }
0xad: {  	v34 =	vld [tilespmem:$0xC920];
	v33 =	vnsel vm5, $0x0, v19  }
0xae: {  	v21 =	vmin.u32 v33, $0xC7;
	v18 =	vld.idx.msk [tilespmem:v18+s2+$0x0], $0xffff  }
0xaf: {  	v21 =	vshll.u32 v21, $0x7  }
0xb0: {  	vm6 =	vlt.s32 v17, v32;
	vm7 =	vgt.s32 v17, $0xFFFFFFFF;
	v17 =	vor.u32 v2, v21  }
0xb1: {  	vm0 =	vmand vm7, vm6  }
0xb2: {  	v36 =	vld [tilespmem:$0xCB10];
	v35 =	vsel vm0, $0x1, v1  }
0xb3: {  	vm8 =	vgt.s32 v34, $0x0;
	[tilespmem:$0xCF00] =	vst v35;
	v18 =	vnsel vm0, $0xFFFFFFFF, v18  }
0xb4: {  	v37 =	vld [tilespmem:$0xC930];
	[tilespmem:$0xCD00] =	vst v18;
	v18 =	vnsel vm8, $0x0, v34  }
0xb5: {  	v17 =	vld.idx.msk [tilespmem:v17+s2+$0x0], $0xffff;
	v18 =	vmin.u32 v18, $0xC7  }
0xb6: {  	v18 =	vshll.u32 v18, $0x7  }
0xb7: {  	vm9 =	vlt.s32 v19, v36;
	vm10 =	vgt.s32 v19, $0xFFFFFFFF;
	v18 =	vor.u32 v3, v18  }
0xb8: {  	vm0 =	vmand vm10, vm9  }
0xb9: {  	v38 =	vld [tilespmem:$0xCB20];
	v19 =	vsel vm0, $0x1, v1  }
0xba: {  	vm11 =	vgt.s32 v37, $0x0;
	[tilespmem:$0xCF10] =	vst v19;
	v17 =	vnsel vm0, $0xFFFFFFFF, v17  }
0xbb: {  	v19 =	vld [tilespmem:$0xC940];
	[tilespmem:$0xCD10] =	vst v17;
	v17 =	vnsel vm11, $0x0, v37  }
0xbc: {  	v18 =	vld.idx.msk [tilespmem:v18+s2+$0x0], $0xffff;
	v17 =	vmin.u32 v17, $0xC7  }
0xbd: {  	v17 =	vshll.u32 v17, $0x7  }
0xbe: {  	vm12 =	vlt.s32 v34, v38;
	vm13 =	vgt.s32 v34, $0xFFFFFFFF;
	v17 =	vor.u32 v4, v17  }
0xbf: {  	vm0 =	vmand vm13, vm12  }
0xc0: {  	v40 =	vld [tilespmem:$0xCB30];
	v39 =	vsel vm0, $0x1, v1  }
0xc1: {  	vm14 =	vgt.s32 v19, $0x0;
	[tilespmem:$0xCF20] =	vst v39;
	v18 =	vnsel vm0, $0xFFFFFFFF, v18  }
0xc2: {  	v41 =	vld [tilespmem:$0xC950];
	[tilespmem:$0xCD20] =	vst v18;
	v18 =	vnsel vm14, $0x0, v19  }
0xc3: {  	v17 =	vld.idx.msk [tilespmem:v17+s2+$0x0], $0xffff;
	v18 =	vmin.u32 v18, $0xC7  }
0xc4: {  	v18 =	vshll.u32 v18, $0x7  }
0xc5: {  	vm15 =	vlt.s32 v37, v40;
	vm4 =	vgt.s32 v37, $0xFFFFFFFF;
	v18 =	vor.u32 v5, v18  }
0xc6: {  	v43 =	vld [tilespmem:$0xCB40];
	vm0 =	vmand vm4, vm15  }
0xc7: {  	v42 =	vsel vm0, $0x1, v1  }
0xc8: {  	vm5 =	vgt.s32 v41, $0x0;
	[tilespmem:$0xCF30] =	vst v42;
	v17 =	vnsel vm0, $0xFFFFFFFF, v17  }
0xc9: {  	v44 =	vld [tilespmem:$0xC960];
	[tilespmem:$0xCD30] =	vst v17;
	v17 =	vnsel vm5, $0x0, v41  }
0xca: {  	v18 =	vld.idx.msk [tilespmem:v18+s2+$0x0], $0xffff;
	v17 =	vmin.u32 v17, $0xC7  }
0xcb: {  	vm6 =	vlt.s32 v19, v43;
	vm7 =	vgt.s32 v19, $0xFFFFFFFF;
	v17 =	vshll.u32 v17, $0x7  }
0xcc: {  	vm0 =	vmand vm7, vm6;
	v17 =	vor.u32 v6, v17  }
0xcd: {  	v19 =	vsel vm0, $0x1, v1  }
0xce: {  	[tilespmem:$0xCF40] =	vst v19;
	v19 =	vld [tilespmem:$0xCB50]  }
0xcf: {  	vm8 =	vgt.s32 v44, $0x0;
	v18 =	vnsel vm0, $0xFFFFFFFF, v18  }
0xd0: {  	v45 =	vld [tilespmem:$0xC970];
	[tilespmem:$0xCD40] =	vst v18;
	v18 =	vnsel vm8, $0x0, v44  }
0xd1: {  	v17 =	vld.idx.msk [tilespmem:v17+s2+$0x0], $0xffff;
	v18 =	vmin.u32 v18, $0xC7  }
0xd2: {  	v18 =	vshll.u32 v18, $0x7  }
0xd3: {  	vm10 =	vgt.s32 v41, $0xFFFFFFFF;
	vm9 =	vlt.s32 v41, v19;
	v18 =	vor.u32 v7, v18  }
0xd4: {  	vm0 =	vmand vm10, vm9  }
0xd5: {  	v46 =	vld [tilespmem:$0xCB60];
	v19 =	vsel vm0, $0x1, v1  }
0xd6: {  	vm11 =	vgt.s32 v45, $0x0;
	[tilespmem:$0xCF50] =	vst v19;
	v17 =	vnsel vm0, $0xFFFFFFFF, v17  }
0xd7: {  	[tilespmem:$0xCD50] =	vst v17;
	v17 =	vnsel vm11, $0x0, v45  }
0xd8: {  	v18 =	vld.idx.msk [tilespmem:v18+s2+$0x0], $0xffff;
	v17 =	vmin.u32 v17, $0xC7  }
0xd9: {  	v17 =	vshll.u32 v17, $0x7  }
0xda: {  	vm12 =	vlt.s32 v44, v46;
	vm13 =	vgt.s32 v44, $0xFFFFFFFF;
	v17 =	vor.u32 v8, v17  }
0xdb: {  	vm0 =	vmand vm13, vm12  }
0xdc: {  	v47 =	vld [tilespmem:$0xCB70];
	v19 =	vsel vm0, $0x1, v1  }
0xdd: {  	[tilespmem:$0xCF60] =	vst v19;
	v18 =	vnsel vm0, $0xFFFFFFFF, v18  }
0xde: {  	[tilespmem:$0xCD60] =	vst v18  }
0xdf: {  	v17 =	vld.idx.msk [tilespmem:v17+s2+$0x0], $0xffff;
	_ =	sdelay $0x1  }
0xe0: {  	vm15 =	vgt.s32 v45, $0xFFFFFFFF;
	vm14 =	vlt.s32 v45, v47  }
0xe1: {  	vm0 =	vmand vm15, vm14  }
0xe2: {  	v18 =	vsel vm0, $0x1, v1  }
0xe3: {  	[tilespmem:$0xCF70] =	vst v18;
	v17 =	vnsel vm0, $0xFFFFFFFF, v17  }
0xe4: {  	[tilespmem:$0xCD70] =	vst v17  }
0xe5: {  	_ =	swait.ge [sflag:s19], $0x6400  }
0xe6: {  	[sflag:s19] =	ssyncset.done $0x0  }
0xe7: {  	[sflag:s19] =	ssyncadd.s32 $0xFFFF9C00  }
0xe8: {  	v17 =	vld [tilespmem:$0xC980];
	_ =	sdelay $0x4  }
0xe9: {  	vm4 =	vgt.s32 v17, $0x0  }
0xea: {  	v18 =	vnsel vm4, $0x0, v17  }
0xeb: {  	v19 =	vld [tilespmem:$0xC990];
	v18 =	vmin.u32 v18, $0xC7  }
0xec: {  	v18 =	vshll.u32 v18, $0x7  }
0xed: {  	v18 =	vadd.s32 v9, v18;
	_ =	sdelay $0x1  }
0xee: {  	v48 =	vld [tilespmem:$0xCB80]  }
0xef: {  	vm5 =	vgt.s32 v19, $0x0  }
0xf0: {  	v50 =	vld [tilespmem:$0xC9A0];
	v49 =	vnsel vm5, $0x0, v19  }
0xf1: {  	v21 =	vmin.u32 v49, $0xC7;
	v18 =	vld.idx.msk [tilespmem:v18+s2+$0x0], $0xffff  }
0xf2: {  	v21 =	vshll.u32 v21, $0x7  }
0xf3: {  	vm6 =	vlt.s32 v17, v48;
	vm7 =	vgt.s32 v17, $0xFFFFFFFF;
	v17 =	vadd.s32 v10, v21  }
0xf4: {  	vm0 =	vmand vm7, vm6  }
0xf5: {  	v52 =	vld [tilespmem:$0xCB90];
	v51 =	vsel vm0, $0x1, v1  }
0xf6: {  	vm8 =	vgt.s32 v50, $0x0;
	[tilespmem:$0xCF80] =	vst v51;
	v18 =	vnsel vm0, $0xFFFFFFFF, v18  }
0xf7: {  	v53 =	vld [tilespmem:$0xC9B0];
	[tilespmem:$0xCD80] =	vst v18;
	v18 =	vnsel vm8, $0x0, v50  }
0xf8: {  	v17 =	vld.idx.msk [tilespmem:v17+s2+$0x0], $0xffff;
	v18 =	vmin.u32 v18, $0xC7  }
0xf9: {  	v18 =	vshll.u32 v18, $0x7  }
0xfa: {  	vm9 =	vlt.s32 v19, v52;
	vm10 =	vgt.s32 v19, $0xFFFFFFFF;
	v18 =	vadd.s32 v11, v18  }
0xfb: {  	vm0 =	vmand vm10, vm9  }
0xfc: {  	v54 =	vld [tilespmem:$0xCBA0];
	v19 =	vsel vm0, $0x1, v1  }
0xfd: {  	vm11 =	vgt.s32 v53, $0x0;
	[tilespmem:$0xCF90] =	vst v19;
	v17 =	vnsel vm0, $0xFFFFFFFF, v17  }
0xfe: {  	v19 =	vld [tilespmem:$0xC9C0];
	[tilespmem:$0xCD90] =	vst v17;
	v17 =	vnsel vm11, $0x0, v53  }
0xff: {  	v18 =	vld.idx.msk [tilespmem:v18+s2+$0x0], $0xffff;
	v17 =	vmin.u32 v17, $0xC7  }
0x100: {  	v17 =	vshll.u32 v17, $0x7  }
0x101: {  	vm12 =	vlt.s32 v50, v54;
	vm13 =	vgt.s32 v50, $0xFFFFFFFF;
	v17 =	vadd.s32 v12, v17  }
0x102: {  	vm0 =	vmand vm13, vm12  }
0x103: {  	v56 =	vld [tilespmem:$0xCBB0];
	v55 =	vsel vm0, $0x1, v1  }
0x104: {  	vm14 =	vgt.s32 v19, $0x0;
	[tilespmem:$0xCFA0] =	vst v55;
	v18 =	vnsel vm0, $0xFFFFFFFF, v18  }
0x105: {  	v57 =	vld [tilespmem:$0xC9D0];
	[tilespmem:$0xCDA0] =	vst v18;
	v18 =	vnsel vm14, $0x0, v19  }
0x106: {  	v17 =	vld.idx.msk [tilespmem:v17+s2+$0x0], $0xffff;
	v18 =	vmin.u32 v18, $0xC7  }
0x107: {  	v18 =	vshll.u32 v18, $0x7  }
0x108: {  	vm15 =	vlt.s32 v53, v56;
	vm4 =	vgt.s32 v53, $0xFFFFFFFF;
	v18 =	vadd.s32 v13, v18  }
0x109: {  	v59 =	vld [tilespmem:$0xCBC0];
	vm0 =	vmand vm4, vm15  }
0x10a: {  	v58 =	vsel vm0, $0x1, v1  }
0x10b: {  	vm5 =	vgt.s32 v57, $0x0;
	[tilespmem:$0xCFB0] =	vst v58;
	v17 =	vnsel vm0, $0xFFFFFFFF, v17  }
0x10c: {  	v60 =	vld [tilespmem:$0xC9E0];
	[tilespmem:$0xCDB0] =	vst v17;
	v17 =	vnsel vm5, $0x0, v57  }
0x10d: {  	v18 =	vld.idx.msk [tilespmem:v18+s2+$0x0], $0xffff;
	v17 =	vmin.u32 v17, $0xC7  }
0x10e: {  	vm6 =	vlt.s32 v19, v59;
	vm7 =	vgt.s32 v19, $0xFFFFFFFF;
	v17 =	vshll.u32 v17, $0x7  }
0x10f: {  	vm0 =	vmand vm7, vm6;
	v17 =	vadd.s32 v14, v17  }
0x110: {  	v19 =	vsel vm0, $0x1, v1  }
0x111: {  	[tilespmem:$0xCFC0] =	vst v19;
	v19 =	vld [tilespmem:$0xCBD0]  }
0x112: {  	vm8 =	vgt.s32 v60, $0x0;
	v18 =	vnsel vm0, $0xFFFFFFFF, v18  }
0x113: {  	v61 =	vld [tilespmem:$0xC9F0];
	[tilespmem:$0xCDC0] =	vst v18;
	v18 =	vnsel vm8, $0x0, v60  }
0x114: {  	v17 =	vld.idx.msk [tilespmem:v17+s2+$0x0], $0xffff;
	v18 =	vmin.u32 v18, $0xC7  }
0x115: {  	v18 =	vshll.u32 v18, $0x7  }
0x116: {  	vm10 =	vgt.s32 v57, $0xFFFFFFFF;
	vm9 =	vlt.s32 v57, v19;
	v18 =	vadd.s32 v15, v18  }
0x117: {  	vm0 =	vmand vm10, vm9  }
0x118: {  	v62 =	vld [tilespmem:$0xCBE0];
	v19 =	vsel vm0, $0x1, v1  }
0x119: {  	vm11 =	vgt.s32 v61, $0x0;
	[tilespmem:$0xCFD0] =	vst v19;
	v17 =	vnsel vm0, $0xFFFFFFFF, v17  }
0x11a: {  	[tilespmem:$0xCDD0] =	vst v17;
	v17 =	vnsel vm11, $0x0, v61  }
0x11b: {  	v18 =	vld.idx.msk [tilespmem:v18+s2+$0x0], $0xffff;
	v17 =	vmin.u32 v17, $0xC7  }
0x11c: {  	v17 =	vshll.u32 v17, $0x7  }
0x11d: {  	vm12 =	vlt.s32 v60, v62;
	vm13 =	vgt.s32 v60, $0xFFFFFFFF;
	v17 =	vadd.s32 v16, v17  }
0x11e: {  	vm0 =	vmand vm13, vm12  }
0x11f: {  	v63 =	vld [tilespmem:$0xCBF0];
	v19 =	vsel vm0, $0x1, v1  }
0x120: {  	[tilespmem:$0xCFE0] =	vst v19;
	v18 =	vnsel vm0, $0xFFFFFFFF, v18  }
0x121: {  	[tilespmem:$0xCDE0] =	vst v18  }
0x122: {  	v17 =	vld.idx.msk [tilespmem:v17+s2+$0x0], $0xffff;
	_ =	sdelay $0x1  }
0x123: {  	vm15 =	vgt.s32 v61, $0xFFFFFFFF;
	vm14 =	vlt.s32 v61, v63  }
0x124: {  	vm0 =	vmand vm15, vm14  }
0x125: {  	v18 =	vsel vm0, $0x1, v1  }
0x126: {  	[tilespmem:$0xCFF0] =	vst v18;
	v17 =	vnsel vm0, $0xFFFFFFFF, v17  }
0x127: {  	[tilespmem:$0xCDF0] =	vst v17  }
0x128: {  	[hbm4b:s9+s2] =	stream.linear.scatter [tilespmem:s20], [sflag:$0x3], $0x200, $0x38;
	[tilespmem:$0xD000] =	vst v63  }
0x129: {  	_ =	swait.ge [sflag:s15], $0x200  }
0x12a: {  	p0 =	sne.s32 s11, $0x1;
	[sflag:s15] =	ssyncset.done $0x0  }
.Ltmp0:
0x12b: {  	[sflag:s15] =	ssyncadd.s32 $0xFFFFFE00;
	(pc) =	sbr.rel @p0 .LBB2_1-.Ltmp0, $4  }
0x12c: {  	[hbm4b:s10+s2] =	stream.linear.scatter [tilespmem:s21], [sflag:$0x3], $0x200, $0x38;
	[tilespmem:$0xD000] =	vst v63  }
0x12d: {  	_ =	swait.ge [sflag:s15], $0x200  }
0x12e: {  	[sflag:s15] =	ssyncset.done $0x0  }
0x12f: {  	s11 =	sadd.s32 $0xFFFFFFFF, s11;
	[sflag:s15] =	ssyncadd.s32 $0xFFFFFE00  }
0x130: {  	_ =	sfence.sel $0x180000  }
0x131: {  	[bflag:$0x0] =	sbarrier.arrive $0xFFFF  }
0x132: {  	p0 =	sne.s32 s1, $0x0;
	_ =	strace $0x90000047  }
0x133: {  	s0 =	sadd.s32 @!p0 $0x100000, s0;
	[bflag:$0x2] =	sbarrier.arrive $0xFFFF  }
0x134: {  	[sflag:s0] =	ssyncadd.tile.s32 @!p0 $0x1;
	_ =	shalt  }
.Lfunc_end2:
_tile_overlayer_lowered:
.L_overlay_start_2:
0x135: {  	(tag) =	ssettag $0x2  }
0x136: {  	s0 =	rddreg [dreg:$0x0];
	s2 =	stileid.u32  }
0x137: {  	s1 =	rddreg [dreg:$0x1];
	p0 =	sne.s32 s2, $0x0  }
0x138: {  	s3 =	rddreg [dreg:$0x2];
	[bflag:$0x3] =	sbarrier.arrive $0xFFFF;
	s2 =	simm.s32 @!p0 $0x1C03  }
0x139: {  	[timem:s3], [sflag:s2] =	dma.local @!p0 [hbm:s0], s1  }
0x13a: {  	s0 =	simm.s32 @!p0 $0x3  }
0x13b: {  	_ =	swait.ge @!p0 [sflag:s0], s1  }
0x13c: {  	s1 =	ssub.s32 @!p0 $0x0, s1;
	[sflag:s0] =	ssyncset.done @!p0 $0x0  }
0x13d: {  	[sflag:s0] =	ssyncadd.s32 @!p0 s1  }
0x13e: {  	[bflag:$0x3] =	sbarrier.arrive $0xFFFF  }
0x13f: {  	_ =	shalt  }

</sc_bundles>
